<compile_context>
chip_gen: v7x
topology: tpu7x:2x2x1
jax: 0.10.2.dev20260603
libtpu: 0.0.44.dev20260713+nightly
codegen_flags: <defaults>
</compile_context>

<pallas_src>
import functools

import jax
import jax.numpy as jnp
from jax import lax
from jax.experimental import pallas as pl
from jax.experimental.pallas import tpu as pltpu
from jax.experimental.pallas import tpu_sc as plsc

NUM_EMB = 100000
DIM = 64
SCALE = 8.0

NC = 2
NS = 16
NW = NC * NS

NBUF = 5


def _transpose_ids_body(i_ref, o_ref):
    x = i_ref[...].T
    o_ref[...] = x.reshape(x.shape[0], 8, 128)


def _transpose_ids(input_ids):
    bsz, tsz = input_ids.shape
    return pl.pallas_call(
        _transpose_ids_body,
        out_shape=jax.ShapeDtypeStruct((tsz, bsz // 128, 128), input_ids.dtype),
        grid=(bsz // 1024,),
        in_specs=[pl.BlockSpec((1024, tsz), lambda j: (j, 0))],
        out_specs=pl.BlockSpec((tsz, 8, 128), lambda j: (0, j, 0)),
    )(input_ids)


def _make_gather(bsz, tsz):
    total = bsz * tsz
    bpw = bsz // NW
    steps = tsz
    assert steps % NBUF == 0
    mesh = plsc.VectorSubcoreMesh(
        core_axis_name="c", subcore_axis_name="s", num_cores=NC, num_subcores=NS
    )

    @functools.partial(
        pl.kernel,
        out_type=jax.ShapeDtypeStruct((total // 2, 2 * DIM), jnp.float32),
        mesh=mesh,
        scratch_types=[
            pltpu.VMEM((tsz, bpw), jnp.int32),
            pltpu.VMEM((NBUF, bpw, DIM), jnp.float32),
            pltpu.SemaphoreType.DMA((NBUF,)),
        ],
        compiler_params=pltpu.CompilerParams(use_tc_tiling_on_sc=False),
    )
    def gather(table_hbm, idsT_hbm, out_hbm, idsT_v, rows_v, sems):
        wid = lax.axis_index("s") * NC + lax.axis_index("c")
        b0 = wid * bpw

        pltpu.sync_copy(idsT_hbm.at[:, wid], idsT_v)

        def idx_ref(i):
            return idsT_v.at[i]

        def fire(i, slot):
            pltpu.async_copy(
                table_hbm.at[idx_ref(i)], rows_v.at[slot], sems.at[slot]
            )

        def drain(i, slot):
            pltpu.make_async_copy(
                table_hbm.at[idx_ref(i)], rows_v.at[slot], sems.at[slot]
            ).wait()
            pltpu.sync_copy(
                rows_v.at[slot],
                out_hbm.at[
                    pl.ds((i // 2) * bsz + b0, bpw), pl.ds((i % 2) * DIM, DIM)
                ],
            )

        for b in range(NBUF):
            fire(b, b)

        @pl.loop(0, steps, step=NBUF)
        def _(g):
            for b in range(NBUF):
                drain(g + b, b)

                @pl.when(g + b + NBUF < steps)
                def _():
                    fire(g + b + NBUF, b)

    return gather


def _finish_body(g_ref, o_ref):
    y = (g_ref[...] * SCALE).T
    o_ref[0] = y[:DIM]
    o_ref[1] = y[DIM:]


def _finish(g128, bsz, tsz):
    return pl.pallas_call(
        _finish_body,
        out_shape=jax.ShapeDtypeStruct((tsz, DIM, bsz), jnp.float32),
        grid=(tsz // 2,),
        in_specs=[pl.BlockSpec((bsz, 128), lambda i: (i, 0))],
        out_specs=pl.BlockSpec((2, DIM, bsz), lambda i: (i, 0, 0)),
    )(g128)


def kernel(input_ids, weight):
    bsz, tsz = input_ids.shape
    total = bsz * tsz
    ids_t = _transpose_ids(input_ids)
    g128 = _make_gather(bsz, tsz)(weight, ids_t)
    out_phys = _finish(g128, bsz, tsz)
    return jnp.transpose(out_phys, (2, 0, 1))

# --- scband reference (transcript-rebuilt; emitter-appended) ---
"""Pipeline reference for scband-mini-gpt4-otext-scaled-word-embedding-46059229282614 (READ-ONLY COPY).

The authoritative reference and input builder live on the scoring server;
editing this copy changes nothing except your own understanding.
"""

import jax, jax.numpy as jnp
import numpy as np

NUM_EMBEDDINGS = 100000
EMBEDDING_DIM = 64
PADDING_IDX = 0
EMBED_SCALE = 8.0


def setup_inputs(seed: int = 0) -> dict:
    key = jax.random.key(seed)
    k_ids, k_w = jax.random.split(key)
    input_ids = jax.random.randint(k_ids, (4096, 200), 0, NUM_EMBEDDINGS, dtype=jnp.int64 if jax.config.jax_enable_x64 else jnp.int32)
    weight = jax.random.normal(k_w, (NUM_EMBEDDINGS, EMBEDDING_DIM), dtype=jnp.float32) * 0.02
    # padding_idx row initialized to zero (matches reset_parameters)
    weight = weight.at[PADDING_IDX].set(0.0)
    return {"input_ids": input_ids, "weight": weight}


def reference(input_ids, weight):
    # F.embedding with max_norm=None is a plain row gather.
    # padding_idx only affects init (row zeroed) and grad (zeroed in bwd).
    embeddings = jnp.take(weight, input_ids, axis=0)
    return embeddings * EMBED_SCALE

if __name__ == "__main__":
    import jax
    _d = setup_inputs()
    print(jax.jit(kernel)(*tuple(_d.values())))

</pallas_src>

<mosaic_0001>
#map = affine_map<(d0, d1) -> (0, 0)>
#map1 = affine_map<(d0, d1) -> (0, 0, 0)>
module attributes {stable_mosaic.version = 14 : i64} {
  func.func @gather(%arg0: i32, %arg1: i32, %arg2: memref<100000x64xf32, #tpu.memory_space<hbm>>, %arg3: memref<200x32x128xi32, #tpu.memory_space<hbm>>, %arg4: memref<409600x128xf32, #tpu.memory_space<hbm>>, %arg5: memref<200x128xi32, #tpu.memory_space<vmem>>, %arg6: memref<5x128x64xf32, #tpu.memory_space<vmem>>, %arg7: memref<5x!tpu.dma_semaphore, #tpu.memory_space<semaphore_mem>>) attributes {dimension_semantics = [#tpu.dimension_semantics<core_parallel>, #tpu.dimension_semantics<subcore_parallel>], iteration_bounds = array<i64: 2, 16>, scalar_prefetch = 0 : i64, scratch_operands = 3 : i64, tpu.core_type = #tpu.core_type<sc_vector_subcore>, window_params = [{transform_indices = #map}, {transform_indices = #map1}, {transform_indices = #map}]} {
    %mul3A = arith.constant 2 : i32
    %mul3A_0 = arith.muli %arg1, %mul3A : i32
    %add3A = arith.addi %mul3A_0, %arg0 : i32
    %mul3A_1 = arith.constant 128 : i32
    %mul3A_2 = arith.muli %add3A, %mul3A_1 : i32
    "tpu.region"() ({
      %run_scoped3A = tpu.sem_alloc : memref<!tpu.dma_semaphore, #tpu.memory_space<semaphore_mem>>
      %dma_start3A_81 = arith.constant 0 : i32
      %dma_start3A_82 = arith.constant 0 : i32
      %dma_start3A_83 = tpu.memref_slice %arg3[%dma_start3A_81, %add3A, %dma_start3A_82] : memref<200x32x128xi32, #tpu.memory_space<hbm>> -> memref<200x1x128xi32, #tpu.memory_space<hbm>>
      %dma_start3A_84 = tpu.memref_squeeze %dma_start3A_83 : memref<200x1x128xi32, #tpu.memory_space<hbm>> -> memref<200x128xi32, #tpu.memory_space<hbm>>
      %dma_start3A_85 = arith.constant 0 : i32
      %dma_start3A_86 = arith.constant 0 : i32
      %dma_start3A_87 = tpu.memref_slice %arg3[%dma_start3A_85, %add3A, %dma_start3A_86] : memref<200x32x128xi32, #tpu.memory_space<hbm>> -> memref<200x1x128xi32, #tpu.memory_space<hbm>>
      %dma_start3A_88 = tpu.memref_squeeze %dma_start3A_87 : memref<200x1x128xi32, #tpu.memory_space<hbm>> -> memref<200x128xi32, #tpu.memory_space<hbm>>
      tpu.enqueue_dma source(%dma_start3A_88 : memref<200x128xi32, #tpu.memory_space<hbm>>) target(%arg5 : memref<200x128xi32, #tpu.memory_space<vmem>>) target_semaphore(%run_scoped3A : memref<!tpu.dma_semaphore, #tpu.memory_space<semaphore_mem>>)
      %dma_wait3A = arith.constant 0 : i32
      %dma_wait3A_89 = arith.constant 0 : i32
      %dma_wait3A_90 = tpu.memref_slice %arg3[%dma_wait3A, %add3A, %dma_wait3A_89] : memref<200x32x128xi32, #tpu.memory_space<hbm>> -> memref<200x1x128xi32, #tpu.memory_space<hbm>>
      %dma_wait3A_91 = tpu.memref_squeeze %dma_wait3A_90 : memref<200x1x128xi32, #tpu.memory_space<hbm>> -> memref<200x128xi32, #tpu.memory_space<hbm>>
      %dma_wait3A_92 = arith.constant 0 : i32
      %dma_wait3A_93 = arith.constant 0 : i32
      %dma_wait3A_94 = tpu.memref_slice %arg3[%dma_wait3A_92, %add3A, %dma_wait3A_93] : memref<200x32x128xi32, #tpu.memory_space<hbm>> -> memref<200x1x128xi32, #tpu.memory_space<hbm>>
      %dma_wait3A_95 = tpu.memref_squeeze %dma_wait3A_94 : memref<200x1x128xi32, #tpu.memory_space<hbm>> -> memref<200x128xi32, #tpu.memory_space<hbm>>
      tpu.wait_dma2 semaphore(%run_scoped3A : memref<!tpu.dma_semaphore, #tpu.memory_space<semaphore_mem>>) src(%dma_wait3A_95 : memref<200x128xi32, #tpu.memory_space<hbm>>) dst(%arg5 : memref<200x128xi32, #tpu.memory_space<vmem>>)
      tpu.yield
    }) : () -> ()
    %dma_start3A = arith.constant 0 : i32
    %dma_start3A_3 = arith.constant 0 : i32
    %dma_start3A_4 = arith.constant 0 : i32
    %dma_start3A_5 = arith.constant 0 : i32
    %dma_start3A_6 = arith.constant 0 : i32
    %dma_start3A_7 = tpu.memref_slice %arg6[%dma_start3A_3, %dma_start3A_5, %dma_start3A_6] : memref<5x128x64xf32, #tpu.memory_space<vmem>> -> memref<1x128x64xf32, #tpu.memory_space<vmem>>
    %dma_start3A_8 = tpu.memref_squeeze %dma_start3A_7 : memref<1x128x64xf32, #tpu.memory_space<vmem>> -> memref<128x64xf32, #tpu.memory_space<vmem>>
    %dma_start3A_9 = arith.constant 0 : i32
    %dma_start3A_10 = tpu.memref_slice %arg5[%dma_start3A, %dma_start3A_9] : memref<200x128xi32, #tpu.memory_space<vmem>> -> memref<1x128xi32, #tpu.memory_space<vmem>>
    %dma_start3A_11 = tpu.memref_squeeze %dma_start3A_10 : memref<1x128xi32, #tpu.memory_space<vmem>> -> memref<128xi32, #tpu.memory_space<vmem>>
    %dma_start3A_12 = arith.constant 0 : i32
    %dma_start3A_13 = arith.constant 0 : i32
    %dma_start3A_14 = tpu.memref_slice %arg2[%dma_start3A_12, %dma_start3A_13] : memref<100000x64xf32, #tpu.memory_space<hbm>> -> memref<100000x64xf32, #tpu.memory_space<hbm>>
    %dma_start3A_15 = tpu.memref_slice %arg7[%dma_start3A_4] : memref<5x!tpu.dma_semaphore, #tpu.memory_space<semaphore_mem>> -> memref<1x!tpu.dma_semaphore, #tpu.memory_space<semaphore_mem>>
    %dma_start3A_16 = tpu.memref_squeeze %dma_start3A_15 : memref<1x!tpu.dma_semaphore, #tpu.memory_space<semaphore_mem>> -> memref<!tpu.dma_semaphore, #tpu.memory_space<semaphore_mem>>
    tpu.enqueue_indirect_dma source(%dma_start3A_14 : memref<100000x64xf32, #tpu.memory_space<hbm>>) target(%dma_start3A_8 : memref<128x64xf32, #tpu.memory_space<vmem>>) offsets(%dma_start3A_11 : memref<128xi32, #tpu.memory_space<vmem>>) semaphore(%dma_start3A_16 : memref<!tpu.dma_semaphore, #tpu.memory_space<semaphore_mem>>)
    %dma_start3A_17 = arith.constant 1 : i32
    %dma_start3A_18 = arith.constant 1 : i32
    %dma_start3A_19 = arith.constant 1 : i32
    %dma_start3A_20 = arith.constant 0 : i32
    %dma_start3A_21 = arith.constant 0 : i32
    %dma_start3A_22 = tpu.memref_slice %arg6[%dma_start3A_18, %dma_start3A_20, %dma_start3A_21] : memref<5x128x64xf32, #tpu.memory_space<vmem>> -> memref<1x128x64xf32, #tpu.memory_space<vmem>>
    %dma_start3A_23 = tpu.memref_squeeze %dma_start3A_22 : memref<1x128x64xf32, #tpu.memory_space<vmem>> -> memref<128x64xf32, #tpu.memory_space<vmem>>
    %dma_start3A_24 = arith.constant 0 : i32
    %dma_start3A_25 = tpu.memref_slice %arg5[%dma_start3A_17, %dma_start3A_24] : memref<200x128xi32, #tpu.memory_space<vmem>> -> memref<1x128xi32, #tpu.memory_space<vmem>>
    %dma_start3A_26 = tpu.memref_squeeze %dma_start3A_25 : memref<1x128xi32, #tpu.memory_space<vmem>> -> memref<128xi32, #tpu.memory_space<vmem>>
    %dma_start3A_27 = arith.constant 0 : i32
    %dma_start3A_28 = arith.constant 0 : i32
    %dma_start3A_29 = tpu.memref_slice %arg2[%dma_start3A_27, %dma_start3A_28] : memref<100000x64xf32, #tpu.memory_space<hbm>> -> memref<100000x64xf32, #tpu.memory_space<hbm>>
    %dma_start3A_30 = tpu.memref_slice %arg7[%dma_start3A_19] : memref<5x!tpu.dma_semaphore, #tpu.memory_space<semaphore_mem>> -> memref<1x!tpu.dma_semaphore, #tpu.memory_space<semaphore_mem>>
    %dma_start3A_31 = tpu.memref_squeeze %dma_start3A_30 : memref<1x!tpu.dma_semaphore, #tpu.memory_space<semaphore_mem>> -> memref<!tpu.dma_semaphore, #tpu.memory_space<semaphore_mem>>
    tpu.enqueue_indirect_dma source(%dma_start3A_29 : memref<100000x64xf32, #tpu.memory_space<hbm>>) target(%dma_start3A_23 : memref<128x64xf32, #tpu.memory_space<vmem>>) offsets(%dma_start3A_26 : memref<128xi32, #tpu.memory_space<vmem>>) semaphore(%dma_start3A_31 : memref<!tpu.dma_semaphore, #tpu.memory_space<semaphore_mem>>)
    %dma_start3A_32 = arith.constant 2 : i32
    %dma_start3A_33 = arith.constant 2 : i32
    %dma_start3A_34 = arith.constant 2 : i32
    %dma_start3A_35 = arith.constant 0 : i32
    %dma_start3A_36 = arith.constant 0 : i32
    %dma_start3A_37 = tpu.memref_slice %arg6[%dma_start3A_33, %dma_start3A_35, %dma_start3A_36] : memref<5x128x64xf32, #tpu.memory_space<vmem>> -> memref<1x128x64xf32, #tpu.memory_space<vmem>>
    %dma_start3A_38 = tpu.memref_squeeze %dma_start3A_37 : memref<1x128x64xf32, #tpu.memory_space<vmem>> -> memref<128x64xf32, #tpu.memory_space<vmem>>
    %dma_start3A_39 = arith.constant 0 : i32
    %dma_start3A_40 = tpu.memref_slice %arg5[%dma_start3A_32, %dma_start3A_39] : memref<200x128xi32, #tpu.memory_space<vmem>> -> memref<1x128xi32, #tpu.memory_space<vmem>>
    %dma_start3A_41 = tpu.memref_squeeze %dma_start3A_40 : memref<1x128xi32, #tpu.memory_space<vmem>> -> memref<128xi32, #tpu.memory_space<vmem>>
    %dma_start3A_42 = arith.constant 0 : i32
    %dma_start3A_43 = arith.constant 0 : i32
    %dma_start3A_44 = tpu.memref_slice %arg2[%dma_start3A_42, %dma_start3A_43] : memref<100000x64xf32, #tpu.memory_space<hbm>> -> memref<100000x64xf32, #tpu.memory_space<hbm>>
    %dma_start3A_45 = tpu.memref_slice %arg7[%dma_start3A_34] : memref<5x!tpu.dma_semaphore, #tpu.memory_space<semaphore_mem>> -> memref<1x!tpu.dma_semaphore, #tpu.memory_space<semaphore_mem>>
    %dma_start3A_46 = tpu.memref_squeeze %dma_start3A_45 : memref<1x!tpu.dma_semaphore, #tpu.memory_space<semaphore_mem>> -> memref<!tpu.dma_semaphore, #tpu.memory_space<semaphore_mem>>
    tpu.enqueue_indirect_dma source(%dma_start3A_44 : memref<100000x64xf32, #tpu.memory_space<hbm>>) target(%dma_start3A_38 : memref<128x64xf32, #tpu.memory_space<vmem>>) offsets(%dma_start3A_41 : memref<128xi32, #tpu.memory_space<vmem>>) semaphore(%dma_start3A_46 : memref<!tpu.dma_semaphore, #tpu.memory_space<semaphore_mem>>)
    %dma_start3A_47 = arith.constant 3 : i32
    %dma_start3A_48 = arith.constant 3 : i32
    %dma_start3A_49 = arith.constant 3 : i32
    %dma_start3A_50 = arith.constant 0 : i32
    %dma_start3A_51 = arith.constant 0 : i32
    %dma_start3A_52 = tpu.memref_slice %arg6[%dma_start3A_48, %dma_start3A_50, %dma_start3A_51] : memref<5x128x64xf32, #tpu.memory_space<vmem>> -> memref<1x128x64xf32, #tpu.memory_space<vmem>>
    %dma_start3A_53 = tpu.memref_squeeze %dma_start3A_52 : memref<1x128x64xf32, #tpu.memory_space<vmem>> -> memref<128x64xf32, #tpu.memory_space<vmem>>
    %dma_start3A_54 = arith.constant 0 : i32
    %dma_start3A_55 = tpu.memref_slice %arg5[%dma_start3A_47, %dma_start3A_54] : memref<200x128xi32, #tpu.memory_space<vmem>> -> memref<1x128xi32, #tpu.memory_space<vmem>>
    %dma_start3A_56 = tpu.memref_squeeze %dma_start3A_55 : memref<1x128xi32, #tpu.memory_space<vmem>> -> memref<128xi32, #tpu.memory_space<vmem>>
    %dma_start3A_57 = arith.constant 0 : i32
    %dma_start3A_58 = arith.constant 0 : i32
    %dma_start3A_59 = tpu.memref_slice %arg2[%dma_start3A_57, %dma_start3A_58] : memref<100000x64xf32, #tpu.memory_space<hbm>> -> memref<100000x64xf32, #tpu.memory_space<hbm>>
    %dma_start3A_60 = tpu.memref_slice %arg7[%dma_start3A_49] : memref<5x!tpu.dma_semaphore, #tpu.memory_space<semaphore_mem>> -> memref<1x!tpu.dma_semaphore, #tpu.memory_space<semaphore_mem>>
    %dma_start3A_61 = tpu.memref_squeeze %dma_start3A_60 : memref<1x!tpu.dma_semaphore, #tpu.memory_space<semaphore_mem>> -> memref<!tpu.dma_semaphore, #tpu.memory_space<semaphore_mem>>
    tpu.enqueue_indirect_dma source(%dma_start3A_59 : memref<100000x64xf32, #tpu.memory_space<hbm>>) target(%dma_start3A_53 : memref<128x64xf32, #tpu.memory_space<vmem>>) offsets(%dma_start3A_56 : memref<128xi32, #tpu.memory_space<vmem>>) semaphore(%dma_start3A_61 : memref<!tpu.dma_semaphore, #tpu.memory_space<semaphore_mem>>)
    %dma_start3A_62 = arith.constant 4 : i32
    %dma_start3A_63 = arith.constant 4 : i32
    %dma_start3A_64 = arith.constant 4 : i32
    %dma_start3A_65 = arith.constant 0 : i32
    %dma_start3A_66 = arith.constant 0 : i32
    %dma_start3A_67 = tpu.memref_slice %arg6[%dma_start3A_63, %dma_start3A_65, %dma_start3A_66] : memref<5x128x64xf32, #tpu.memory_space<vmem>> -> memref<1x128x64xf32, #tpu.memory_space<vmem>>
    %dma_start3A_68 = tpu.memref_squeeze %dma_start3A_67 : memref<1x128x64xf32, #tpu.memory_space<vmem>> -> memref<128x64xf32, #tpu.memory_space<vmem>>
    %dma_start3A_69 = arith.constant 0 : i32
    %dma_start3A_70 = tpu.memref_slice %arg5[%dma_start3A_62, %dma_start3A_69] : memref<200x128xi32, #tpu.memory_space<vmem>> -> memref<1x128xi32, #tpu.memory_space<vmem>>
    %dma_start3A_71 = tpu.memref_squeeze %dma_start3A_70 : memref<1x128xi32, #tpu.memory_space<vmem>> -> memref<128xi32, #tpu.memory_space<vmem>>
    %dma_start3A_72 = arith.constant 0 : i32
    %dma_start3A_73 = arith.constant 0 : i32
    %dma_start3A_74 = tpu.memref_slice %arg2[%dma_start3A_72, %dma_start3A_73] : memref<100000x64xf32, #tpu.memory_space<hbm>> -> memref<100000x64xf32, #tpu.memory_space<hbm>>
    %dma_start3A_75 = tpu.memref_slice %arg7[%dma_start3A_64] : memref<5x!tpu.dma_semaphore, #tpu.memory_space<semaphore_mem>> -> memref<1x!tpu.dma_semaphore, #tpu.memory_space<semaphore_mem>>
    %dma_start3A_76 = tpu.memref_squeeze %dma_start3A_75 : memref<1x!tpu.dma_semaphore, #tpu.memory_space<semaphore_mem>> -> memref<!tpu.dma_semaphore, #tpu.memory_space<semaphore_mem>>
    tpu.enqueue_indirect_dma source(%dma_start3A_74 : memref<100000x64xf32, #tpu.memory_space<hbm>>) target(%dma_start3A_68 : memref<128x64xf32, #tpu.memory_space<vmem>>) offsets(%dma_start3A_71 : memref<128xi32, #tpu.memory_space<vmem>>) semaphore(%dma_start3A_76 : memref<!tpu.dma_semaphore, #tpu.memory_space<semaphore_mem>>)
    %scan3A = arith.constant 0 : i32
    %scan3A_77 = arith.constant 40 : i32
    %scan3A_78 = arith.addi %scan3A, %scan3A_77 : i32
    %scan3A_79 = arith.constant 1 : i32
    scf.for %scan3A_81 = %scan3A to %scan3A_78 step %scan3A_79  : i32 {
      %mul3A_82 = arith.constant 5 : i32
      %mul3A_83 = arith.muli %scan3A_81, %mul3A_82 : i32
      %add3A_84 = arith.constant 0 : i32
      %add3A_85 = arith.addi %add3A_84, %mul3A_83 : i32
      %add3A_86 = arith.constant 0 : i32
      %add3A_87 = arith.addi %add3A_85, %add3A_86 : i32
      %dma_wait3A = arith.constant 0 : i32
      %dma_wait3A_88 = arith.constant 0 : i32
      %dma_wait3A_89 = arith.constant 0 : i32
      %dma_wait3A_90 = arith.constant 0 : i32
      %dma_wait3A_91 = tpu.memref_slice %arg6[%dma_wait3A, %dma_wait3A_89, %dma_wait3A_90] : memref<5x128x64xf32, #tpu.memory_space<vmem>> -> memref<1x128x64xf32, #tpu.memory_space<vmem>>
      %dma_wait3A_92 = tpu.memref_squeeze %dma_wait3A_91 : memref<1x128x64xf32, #tpu.memory_space<vmem>> -> memref<128x64xf32, #tpu.memory_space<vmem>>
      %dma_wait3A_93 = arith.constant 0 : i32
      %dma_wait3A_94 = tpu.memref_slice %arg5[%add3A_87, %dma_wait3A_93] : memref<200x128xi32, #tpu.memory_space<vmem>> -> memref<1x128xi32, #tpu.memory_space<vmem>>
      %dma_wait3A_95 = tpu.memref_squeeze %dma_wait3A_94 : memref<1x128xi32, #tpu.memory_space<vmem>> -> memref<128xi32, #tpu.memory_space<vmem>>
      %dma_wait3A_96 = arith.constant 0 : i32
      %dma_wait3A_97 = arith.constant 0 : i32
      %dma_wait3A_98 = tpu.memref_slice %arg2[%dma_wait3A_96, %dma_wait3A_97] : memref<100000x64xf32, #tpu.memory_space<hbm>> -> memref<100000x64xf32, #tpu.memory_space<hbm>>
      %dma_wait3A_99 = tpu.memref_slice %arg7[%dma_wait3A_88] : memref<5x!tpu.dma_semaphore, #tpu.memory_space<semaphore_mem>> -> memref<1x!tpu.dma_semaphore, #tpu.memory_space<semaphore_mem>>
      %dma_wait3A_100 = tpu.memref_squeeze %dma_wait3A_99 : memref<1x!tpu.dma_semaphore, #tpu.memory_space<semaphore_mem>> -> memref<!tpu.dma_semaphore, #tpu.memory_space<semaphore_mem>>
      tpu.wait_indirect_dma semaphore(%dma_wait3A_100 : memref<!tpu.dma_semaphore, #tpu.memory_space<semaphore_mem>>) src(%dma_wait3A_98 : memref<100000x64xf32, #tpu.memory_space<hbm>>) dst(%dma_wait3A_92 : memref<128x64xf32, #tpu.memory_space<vmem>>)
      %jit3A = arith.constant 2 : i32
      %div3A = arith.divsi %add3A_87, %jit3A : i32
      %sign3A = arith.constant 0 : i32
      %sign3A_101 = arith.cmpi sgt, %add3A_87, %sign3A : i32
      %sign3A_102 = arith.extui %sign3A_101 : i1 to i32
      %sign3A_103 = arith.constant 0 : i32
      %sign3A_104 = arith.cmpi slt, %add3A_87, %sign3A_103 : i32
      %sign3A_105 = arith.extui %sign3A_104 : i1 to i32
      %sign3A_106 = arith.subi %sign3A_102, %sign3A_105 : i32
      %sign3A_107 = arith.constant 0 : i32
      %sign3A_108 = arith.cmpi sgt, %jit3A, %sign3A_107 : i32
      %sign3A_109 = arith.extui %sign3A_108 : i1 to i32
      %sign3A_110 = arith.constant 0 : i32
      %sign3A_111 = arith.cmpi slt, %jit3A, %sign3A_110 : i32
      %sign3A_112 = arith.extui %sign3A_111 : i1 to i32
      %sign3A_113 = arith.subi %sign3A_109, %sign3A_112 : i32
      %ne3A = arith.cmpi ne, %sign3A_106, %sign3A_113 : i32
      %rem3A = arith.remsi %add3A_87, %jit3A : i32
      %ne3A_114 = arith.constant 0 : i32
      %ne3A_115 = arith.cmpi ne, %rem3A, %ne3A_114 : i32
      %and3A = arith.andi %ne3A, %ne3A_115 : i1
      %sub3A = arith.constant 1 : i32
      %sub3A_116 = arith.subi %div3A, %sub3A : i32
      %select_n3A = arith.select %and3A, %sub3A_116, %div3A : i32
      %mul3A_117 = arith.constant 4096 : i32
      %mul3A_118 = arith.muli %select_n3A, %mul3A_117 : i32
      %add3A_119 = arith.addi %mul3A_118, %mul3A_2 : i32
      %jit3A_120 = arith.constant 2 : i32
      %eq3A = arith.constant 0 : i32
      %eq3A_121 = arith.cmpi eq, %jit3A_120, %eq3A : i32
      %jit3A_122 = arith.constant 1 : i32
      %select_n3A_123 = arith.select %eq3A_121, %jit3A_122, %jit3A_120 : i32
      %rem3A_124 = arith.remsi %add3A_87, %select_n3A_123 : i32
      %ne3A_125 = arith.constant 0 : i32
      %ne3A_126 = arith.cmpi ne, %rem3A_124, %ne3A_125 : i32
      %lt3A = arith.constant 0 : i32
      %lt3A_127 = arith.cmpi slt, %rem3A_124, %lt3A : i32
      %lt3A_128 = arith.constant 0 : i32
      %lt3A_129 = arith.cmpi slt, %select_n3A_123, %lt3A_128 : i32
      %ne3A_130 = arith.xori %lt3A_127, %lt3A_129 : i1
      %and3A_131 = arith.andi %ne3A_130, %ne3A_126 : i1
      %add3A_132 = arith.addi %rem3A_124, %select_n3A_123 : i32
      %select_n3A_133 = arith.select %and3A_131, %add3A_132, %rem3A_124 : i32
      %mul3A_134 = arith.constant 64 : i32
      %mul3A_135 = arith.muli %select_n3A_133, %mul3A_134 : i32
      %run_scoped3A = arith.constant 0 : i32
      "tpu.region"() ({
        %run_scoped3A_427 = tpu.sem_alloc : memref<!tpu.dma_semaphore, #tpu.memory_space<semaphore_mem>>
        %dma_start3A_428 = arith.constant 0 : i32
        %dma_start3A_429 = arith.constant 0 : i32
        %dma_start3A_430 = tpu.memref_slice %arg6[%run_scoped3A, %dma_start3A_428, %dma_start3A_429] : memref<5x128x64xf32, #tpu.memory_space<vmem>> -> memref<1x128x64xf32, #tpu.memory_space<vmem>>
        %dma_start3A_431 = tpu.memref_squeeze %dma_start3A_430 : memref<1x128x64xf32, #tpu.memory_space<vmem>> -> memref<128x64xf32, #tpu.memory_space<vmem>>
        %dma_start3A_432 = tpu.memref_slice %arg4[%add3A_119, %mul3A_135] : memref<409600x128xf32, #tpu.memory_space<hbm>> -> memref<128x64xf32, #tpu.memory_space<hbm>>
        %dma_start3A_433 = tpu.memref_slice %arg4[%add3A_119, %mul3A_135] : memref<409600x128xf32, #tpu.memory_space<hbm>> -> memref<128x64xf32, #tpu.memory_space<hbm>>
        %dma_start3A_434 = arith.constant 0 : i32
        %dma_start3A_435 = arith.constant 0 : i32
        %dma_start3A_436 = tpu.memref_slice %arg6[%run_scoped3A, %dma_start3A_434, %dma_start3A_435] : memref<5x128x64xf32, #tpu.memory_space<vmem>> -> memref<1x128x64xf32, #tpu.memory_space<vmem>>
        %dma_start3A_437 = tpu.memref_squeeze %dma_start3A_436 : memref<1x128x64xf32, #tpu.memory_space<vmem>> -> memref<128x64xf32, #tpu.memory_space<vmem>>
        tpu.enqueue_dma source(%dma_start3A_437 : memref<128x64xf32, #tpu.memory_space<vmem>>) target(%dma_start3A_433 : memref<128x64xf32, #tpu.memory_space<hbm>>) target_semaphore(%run_scoped3A_427 : memref<!tpu.dma_semaphore, #tpu.memory_space<semaphore_mem>>)
        %dma_wait3A_438 = arith.constant 0 : i32
        %dma_wait3A_439 = arith.constant 0 : i32
        %dma_wait3A_440 = tpu.memref_slice %arg6[%run_scoped3A, %dma_wait3A_438, %dma_wait3A_439] : memref<5x128x64xf32, #tpu.memory_space<vmem>> -> memref<1x128x64xf32, #tpu.memory_space<vmem>>
        %dma_wait3A_441 = tpu.memref_squeeze %dma_wait3A_440 : memref<1x128x64xf32, #tpu.memory_space<vmem>> -> memref<128x64xf32, #tpu.memory_space<vmem>>
        %dma_wait3A_442 = tpu.memref_slice %arg4[%add3A_119, %mul3A_135] : memref<409600x128xf32, #tpu.memory_space<hbm>> -> memref<128x64xf32, #tpu.memory_space<hbm>>
        %dma_wait3A_443 = tpu.memref_slice %arg4[%add3A_119, %mul3A_135] : memref<409600x128xf32, #tpu.memory_space<hbm>> -> memref<128x64xf32, #tpu.memory_space<hbm>>
        %dma_wait3A_444 = arith.constant 0 : i32
        %dma_wait3A_445 = arith.constant 0 : i32
        %dma_wait3A_446 = tpu.memref_slice %arg6[%run_scoped3A, %dma_wait3A_444, %dma_wait3A_445] : memref<5x128x64xf32, #tpu.memory_space<vmem>> -> memref<1x128x64xf32, #tpu.memory_space<vmem>>
        %dma_wait3A_447 = tpu.memref_squeeze %dma_wait3A_446 : memref<1x128x64xf32, #tpu.memory_space<vmem>> -> memref<128x64xf32, #tpu.memory_space<vmem>>
        tpu.wait_dma2 semaphore(%run_scoped3A_427 : memref<!tpu.dma_semaphore, #tpu.memory_space<semaphore_mem>>) src(%dma_wait3A_447 : memref<128x64xf32, #tpu.memory_space<vmem>>) dst(%dma_wait3A_443 : memref<128x64xf32, #tpu.memory_space<hbm>>)
        tpu.yield
      }) : () -> ()
      %add3A_136 = arith.constant 0 : i32
      %add3A_137 = arith.addi %add3A_85, %add3A_136 : i32
      %add3A_138 = arith.constant 5 : i32
      %add3A_139 = arith.addi %add3A_137, %add3A_138 : i32
      %lt3A_140 = arith.constant 200 : i32
      %lt3A_141 = arith.cmpi slt, %add3A_139, %lt3A_140 : i32
      %convert_element_type3A = arith.extui %lt3A_141 : i1 to i32
      %cond3A = arith.constant 0 : i32
      %cond3A_142 = arith.cmpi ne, %convert_element_type3A, %cond3A : i32
      scf.if %cond3A_142 {
        %add3A_427 = arith.constant 0 : i32
        %add3A_428 = arith.addi %add3A_85, %add3A_427 : i32
        %add3A_429 = arith.constant 5 : i32
        %add3A_430 = arith.addi %add3A_428, %add3A_429 : i32
        %dma_start3A_431 = arith.constant 0 : i32
        %dma_start3A_432 = arith.constant 0 : i32
        %dma_start3A_433 = arith.constant 0 : i32
        %dma_start3A_434 = arith.constant 0 : i32
        %dma_start3A_435 = tpu.memref_slice %arg6[%dma_start3A_431, %dma_start3A_433, %dma_start3A_434] : memref<5x128x64xf32, #tpu.memory_space<vmem>> -> memref<1x128x64xf32, #tpu.memory_space<vmem>>
        %dma_start3A_436 = tpu.memref_squeeze %dma_start3A_435 : memref<1x128x64xf32, #tpu.memory_space<vmem>> -> memref<128x64xf32, #tpu.memory_space<vmem>>
        %dma_start3A_437 = arith.constant 0 : i32
        %dma_start3A_438 = tpu.memref_slice %arg5[%add3A_430, %dma_start3A_437] : memref<200x128xi32, #tpu.memory_space<vmem>> -> memref<1x128xi32, #tpu.memory_space<vmem>>
        %dma_start3A_439 = tpu.memref_squeeze %dma_start3A_438 : memref<1x128xi32, #tpu.memory_space<vmem>> -> memref<128xi32, #tpu.memory_space<vmem>>
        %dma_start3A_440 = arith.constant 0 : i32
        %dma_start3A_441 = arith.constant 0 : i32
        %dma_start3A_442 = tpu.memref_slice %arg2[%dma_start3A_440, %dma_start3A_441] : memref<100000x64xf32, #tpu.memory_space<hbm>> -> memref<100000x64xf32, #tpu.memory_space<hbm>>
        %dma_start3A_443 = tpu.memref_slice %arg7[%dma_start3A_432] : memref<5x!tpu.dma_semaphore, #tpu.memory_space<semaphore_mem>> -> memref<1x!tpu.dma_semaphore, #tpu.memory_space<semaphore_mem>>
        %dma_start3A_444 = tpu.memref_squeeze %dma_start3A_443 : memref<1x!tpu.dma_semaphore, #tpu.memory_space<semaphore_mem>> -> memref<!tpu.dma_semaphore, #tpu.memory_space<semaphore_mem>>
        tpu.enqueue_indirect_dma source(%dma_start3A_442 : memref<100000x64xf32, #tpu.memory_space<hbm>>) target(%dma_start3A_436 : memref<128x64xf32, #tpu.memory_space<vmem>>) offsets(%dma_start3A_439 : memref<128xi32, #tpu.memory_space<vmem>>) semaphore(%dma_start3A_444 : memref<!tpu.dma_semaphore, #tpu.memory_space<semaphore_mem>>)
      } else {
      }
      %add3A_143 = arith.constant 1 : i32
      %add3A_144 = arith.addi %add3A_85, %add3A_143 : i32
      %dma_wait3A_145 = arith.constant 1 : i32
      %dma_wait3A_146 = arith.constant 1 : i32
      %dma_wait3A_147 = arith.constant 0 : i32
      %dma_wait3A_148 = arith.constant 0 : i32
      %dma_wait3A_149 = tpu.memref_slice %arg6[%dma_wait3A_145, %dma_wait3A_147, %dma_wait3A_148] : memref<5x128x64xf32, #tpu.memory_space<vmem>> -> memref<1x128x64xf32, #tpu.memory_space<vmem>>
      %dma_wait3A_150 = tpu.memref_squeeze %dma_wait3A_149 : memref<1x128x64xf32, #tpu.memory_space<vmem>> -> memref<128x64xf32, #tpu.memory_space<vmem>>
      %dma_wait3A_151 = arith.constant 0 : i32
      %dma_wait3A_152 = tpu.memref_slice %arg5[%add3A_144, %dma_wait3A_151] : memref<200x128xi32, #tpu.memory_space<vmem>> -> memref<1x128xi32, #tpu.memory_space<vmem>>
      %dma_wait3A_153 = tpu.memref_squeeze %dma_wait3A_152 : memref<1x128xi32, #tpu.memory_space<vmem>> -> memref<128xi32, #tpu.memory_space<vmem>>
      %dma_wait3A_154 = arith.constant 0 : i32
      %dma_wait3A_155 = arith.constant 0 : i32
      %dma_wait3A_156 = tpu.memref_slice %arg2[%dma_wait3A_154, %dma_wait3A_155] : memref<100000x64xf32, #tpu.memory_space<hbm>> -> memref<100000x64xf32, #tpu.memory_space<hbm>>
      %dma_wait3A_157 = tpu.memref_slice %arg7[%dma_wait3A_146] : memref<5x!tpu.dma_semaphore, #tpu.memory_space<semaphore_mem>> -> memref<1x!tpu.dma_semaphore, #tpu.memory_space<semaphore_mem>>
      %dma_wait3A_158 = tpu.memref_squeeze %dma_wait3A_157 : memref<1x!tpu.dma_semaphore, #tpu.memory_space<semaphore_mem>> -> memref<!tpu.dma_semaphore, #tpu.memory_space<semaphore_mem>>
      tpu.wait_indirect_dma semaphore(%dma_wait3A_158 : memref<!tpu.dma_semaphore, #tpu.memory_space<semaphore_mem>>) src(%dma_wait3A_156 : memref<100000x64xf32, #tpu.memory_space<hbm>>) dst(%dma_wait3A_150 : memref<128x64xf32, #tpu.memory_space<vmem>>)
      %jit3A_159 = arith.constant 2 : i32
      %div3A_160 = arith.divsi %add3A_144, %jit3A_159 : i32
      %sign3A_161 = arith.constant 0 : i32
      %sign3A_162 = arith.cmpi sgt, %add3A_144, %sign3A_161 : i32
      %sign3A_163 = arith.extui %sign3A_162 : i1 to i32
      %sign3A_164 = arith.constant 0 : i32
      %sign3A_165 = arith.cmpi slt, %add3A_144, %sign3A_164 : i32
      %sign3A_166 = arith.extui %sign3A_165 : i1 to i32
      %sign3A_167 = arith.subi %sign3A_163, %sign3A_166 : i32
      %sign3A_168 = arith.constant 0 : i32
      %sign3A_169 = arith.cmpi sgt, %jit3A_159, %sign3A_168 : i32
      %sign3A_170 = arith.extui %sign3A_169 : i1 to i32
      %sign3A_171 = arith.constant 0 : i32
      %sign3A_172 = arith.cmpi slt, %jit3A_159, %sign3A_171 : i32
      %sign3A_173 = arith.extui %sign3A_172 : i1 to i32
      %sign3A_174 = arith.subi %sign3A_170, %sign3A_173 : i32
      %ne3A_175 = arith.cmpi ne, %sign3A_167, %sign3A_174 : i32
      %rem3A_176 = arith.remsi %add3A_144, %jit3A_159 : i32
      %ne3A_177 = arith.constant 0 : i32
      %ne3A_178 = arith.cmpi ne, %rem3A_176, %ne3A_177 : i32
      %and3A_179 = arith.andi %ne3A_175, %ne3A_178 : i1
      %sub3A_180 = arith.constant 1 : i32
      %sub3A_181 = arith.subi %div3A_160, %sub3A_180 : i32
      %select_n3A_182 = arith.select %and3A_179, %sub3A_181, %div3A_160 : i32
      %mul3A_183 = arith.constant 4096 : i32
      %mul3A_184 = arith.muli %select_n3A_182, %mul3A_183 : i32
      %add3A_185 = arith.addi %mul3A_184, %mul3A_2 : i32
      %jit3A_186 = arith.constant 2 : i32
      %eq3A_187 = arith.constant 0 : i32
      %eq3A_188 = arith.cmpi eq, %jit3A_186, %eq3A_187 : i32
      %jit3A_189 = arith.constant 1 : i32
      %select_n3A_190 = arith.select %eq3A_188, %jit3A_189, %jit3A_186 : i32
      %rem3A_191 = arith.remsi %add3A_144, %select_n3A_190 : i32
      %ne3A_192 = arith.constant 0 : i32
      %ne3A_193 = arith.cmpi ne, %rem3A_191, %ne3A_192 : i32
      %lt3A_194 = arith.constant 0 : i32
      %lt3A_195 = arith.cmpi slt, %rem3A_191, %lt3A_194 : i32
      %lt3A_196 = arith.constant 0 : i32
      %lt3A_197 = arith.cmpi slt, %select_n3A_190, %lt3A_196 : i32
      %ne3A_198 = arith.xori %lt3A_195, %lt3A_197 : i1
      %and3A_199 = arith.andi %ne3A_198, %ne3A_193 : i1
      %add3A_200 = arith.addi %rem3A_191, %select_n3A_190 : i32
      %select_n3A_201 = arith.select %and3A_199, %add3A_200, %rem3A_191 : i32
      %mul3A_202 = arith.constant 64 : i32
      %mul3A_203 = arith.muli %select_n3A_201, %mul3A_202 : i32
      %run_scoped3A_204 = arith.constant 1 : i32
      "tpu.region"() ({
        %run_scoped3A_427 = tpu.sem_alloc : memref<!tpu.dma_semaphore, #tpu.memory_space<semaphore_mem>>
        %dma_start3A_428 = arith.constant 0 : i32
        %dma_start3A_429 = arith.constant 0 : i32
        %dma_start3A_430 = tpu.memref_slice %arg6[%run_scoped3A_204, %dma_start3A_428, %dma_start3A_429] : memref<5x128x64xf32, #tpu.memory_space<vmem>> -> memref<1x128x64xf32, #tpu.memory_space<vmem>>
        %dma_start3A_431 = tpu.memref_squeeze %dma_start3A_430 : memref<1x128x64xf32, #tpu.memory_space<vmem>> -> memref<128x64xf32, #tpu.memory_space<vmem>>
        %dma_start3A_432 = tpu.memref_slice %arg4[%add3A_185, %mul3A_203] : memref<409600x128xf32, #tpu.memory_space<hbm>> -> memref<128x64xf32, #tpu.memory_space<hbm>>
        %dma_start3A_433 = tpu.memref_slice %arg4[%add3A_185, %mul3A_203] : memref<409600x128xf32, #tpu.memory_space<hbm>> -> memref<128x64xf32, #tpu.memory_space<hbm>>
        %dma_start3A_434 = arith.constant 0 : i32
        %dma_start3A_435 = arith.constant 0 : i32
        %dma_start3A_436 = tpu.memref_slice %arg6[%run_scoped3A_204, %dma_start3A_434, %dma_start3A_435] : memref<5x128x64xf32, #tpu.memory_space<vmem>> -> memref<1x128x64xf32, #tpu.memory_space<vmem>>
        %dma_start3A_437 = tpu.memref_squeeze %dma_start3A_436 : memref<1x128x64xf32, #tpu.memory_space<vmem>> -> memref<128x64xf32, #tpu.memory_space<vmem>>
        tpu.enqueue_dma source(%dma_start3A_437 : memref<128x64xf32, #tpu.memory_space<vmem>>) target(%dma_start3A_433 : memref<128x64xf32, #tpu.memory_space<hbm>>) target_semaphore(%run_scoped3A_427 : memref<!tpu.dma_semaphore, #tpu.memory_space<semaphore_mem>>)
        %dma_wait3A_438 = arith.constant 0 : i32
        %dma_wait3A_439 = arith.constant 0 : i32
        %dma_wait3A_440 = tpu.memref_slice %arg6[%run_scoped3A_204, %dma_wait3A_438, %dma_wait3A_439] : memref<5x128x64xf32, #tpu.memory_space<vmem>> -> memref<1x128x64xf32, #tpu.memory_space<vmem>>
        %dma_wait3A_441 = tpu.memref_squeeze %dma_wait3A_440 : memref<1x128x64xf32, #tpu.memory_space<vmem>> -> memref<128x64xf32, #tpu.memory_space<vmem>>
        %dma_wait3A_442 = tpu.memref_slice %arg4[%add3A_185, %mul3A_203] : memref<409600x128xf32, #tpu.memory_space<hbm>> -> memref<128x64xf32, #tpu.memory_space<hbm>>
        %dma_wait3A_443 = tpu.memref_slice %arg4[%add3A_185, %mul3A_203] : memref<409600x128xf32, #tpu.memory_space<hbm>> -> memref<128x64xf32, #tpu.memory_space<hbm>>
        %dma_wait3A_444 = arith.constant 0 : i32
        %dma_wait3A_445 = arith.constant 0 : i32
        %dma_wait3A_446 = tpu.memref_slice %arg6[%run_scoped3A_204, %dma_wait3A_444, %dma_wait3A_445] : memref<5x128x64xf32, #tpu.memory_space<vmem>> -> memref<1x128x64xf32, #tpu.memory_space<vmem>>
        %dma_wait3A_447 = tpu.memref_squeeze %dma_wait3A_446 : memref<1x128x64xf32, #tpu.memory_space<vmem>> -> memref<128x64xf32, #tpu.memory_space<vmem>>
        tpu.wait_dma2 semaphore(%run_scoped3A_427 : memref<!tpu.dma_semaphore, #tpu.memory_space<semaphore_mem>>) src(%dma_wait3A_447 : memref<128x64xf32, #tpu.memory_space<vmem>>) dst(%dma_wait3A_443 : memref<128x64xf32, #tpu.memory_space<hbm>>)
        tpu.yield
      }) : () -> ()
      %add3A_205 = arith.constant 1 : i32
      %add3A_206 = arith.addi %add3A_85, %add3A_205 : i32
      %add3A_207 = arith.constant 5 : i32
      %add3A_208 = arith.addi %add3A_206, %add3A_207 : i32
      %lt3A_209 = arith.constant 200 : i32
      %lt3A_210 = arith.cmpi slt, %add3A_208, %lt3A_209 : i32
      %convert_element_type3A_211 = arith.extui %lt3A_210 : i1 to i32
      %cond3A_212 = arith.constant 0 : i32
      %cond3A_213 = arith.cmpi ne, %convert_element_type3A_211, %cond3A_212 : i32
      scf.if %cond3A_213 {
        %add3A_427 = arith.constant 1 : i32
        %add3A_428 = arith.addi %add3A_85, %add3A_427 : i32
        %add3A_429 = arith.constant 5 : i32
        %add3A_430 = arith.addi %add3A_428, %add3A_429 : i32
        %dma_start3A_431 = arith.constant 1 : i32
        %dma_start3A_432 = arith.constant 1 : i32
        %dma_start3A_433 = arith.constant 0 : i32
        %dma_start3A_434 = arith.constant 0 : i32
        %dma_start3A_435 = tpu.memref_slice %arg6[%dma_start3A_431, %dma_start3A_433, %dma_start3A_434] : memref<5x128x64xf32, #tpu.memory_space<vmem>> -> memref<1x128x64xf32, #tpu.memory_space<vmem>>
        %dma_start3A_436 = tpu.memref_squeeze %dma_start3A_435 : memref<1x128x64xf32, #tpu.memory_space<vmem>> -> memref<128x64xf32, #tpu.memory_space<vmem>>
        %dma_start3A_437 = arith.constant 0 : i32
        %dma_start3A_438 = tpu.memref_slice %arg5[%add3A_430, %dma_start3A_437] : memref<200x128xi32, #tpu.memory_space<vmem>> -> memref<1x128xi32, #tpu.memory_space<vmem>>
        %dma_start3A_439 = tpu.memref_squeeze %dma_start3A_438 : memref<1x128xi32, #tpu.memory_space<vmem>> -> memref<128xi32, #tpu.memory_space<vmem>>
        %dma_start3A_440 = arith.constant 0 : i32
        %dma_start3A_441 = arith.constant 0 : i32
        %dma_start3A_442 = tpu.memref_slice %arg2[%dma_start3A_440, %dma_start3A_441] : memref<100000x64xf32, #tpu.memory_space<hbm>> -> memref<100000x64xf32, #tpu.memory_space<hbm>>
        %dma_start3A_443 = tpu.memref_slice %arg7[%dma_start3A_432] : memref<5x!tpu.dma_semaphore, #tpu.memory_space<semaphore_mem>> -> memref<1x!tpu.dma_semaphore, #tpu.memory_space<semaphore_mem>>
        %dma_start3A_444 = tpu.memref_squeeze %dma_start3A_443 : memref<1x!tpu.dma_semaphore, #tpu.memory_space<semaphore_mem>> -> memref<!tpu.dma_semaphore, #tpu.memory_space<semaphore_mem>>
        tpu.enqueue_indirect_dma source(%dma_start3A_442 : memref<100000x64xf32, #tpu.memory_space<hbm>>) target(%dma_start3A_436 : memref<128x64xf32, #tpu.memory_space<vmem>>) offsets(%dma_start3A_439 : memref<128xi32, #tpu.memory_space<vmem>>) semaphore(%dma_start3A_444 : memref<!tpu.dma_semaphore, #tpu.memory_space<semaphore_mem>>)
      } else {
      }
      %add3A_214 = arith.constant 2 : i32
      %add3A_215 = arith.addi %add3A_85, %add3A_214 : i32
      %dma_wait3A_216 = arith.constant 2 : i32
      %dma_wait3A_217 = arith.constant 2 : i32
      %dma_wait3A_218 = arith.constant 0 : i32
      %dma_wait3A_219 = arith.constant 0 : i32
      %dma_wait3A_220 = tpu.memref_slice %arg6[%dma_wait3A_216, %dma_wait3A_218, %dma_wait3A_219] : memref<5x128x64xf32, #tpu.memory_space<vmem>> -> memref<1x128x64xf32, #tpu.memory_space<vmem>>
      %dma_wait3A_221 = tpu.memref_squeeze %dma_wait3A_220 : memref<1x128x64xf32, #tpu.memory_space<vmem>> -> memref<128x64xf32, #tpu.memory_space<vmem>>
      %dma_wait3A_222 = arith.constant 0 : i32
      %dma_wait3A_223 = tpu.memref_slice %arg5[%add3A_215, %dma_wait3A_222] : memref<200x128xi32, #tpu.memory_space<vmem>> -> memref<1x128xi32, #tpu.memory_space<vmem>>
      %dma_wait3A_224 = tpu.memref_squeeze %dma_wait3A_223 : memref<1x128xi32, #tpu.memory_space<vmem>> -> memref<128xi32, #tpu.memory_space<vmem>>
      %dma_wait3A_225 = arith.constant 0 : i32
      %dma_wait3A_226 = arith.constant 0 : i32
      %dma_wait3A_227 = tpu.memref_slice %arg2[%dma_wait3A_225, %dma_wait3A_226] : memref<100000x64xf32, #tpu.memory_space<hbm>> -> memref<100000x64xf32, #tpu.memory_space<hbm>>
      %dma_wait3A_228 = tpu.memref_slice %arg7[%dma_wait3A_217] : memref<5x!tpu.dma_semaphore, #tpu.memory_space<semaphore_mem>> -> memref<1x!tpu.dma_semaphore, #tpu.memory_space<semaphore_mem>>
      %dma_wait3A_229 = tpu.memref_squeeze %dma_wait3A_228 : memref<1x!tpu.dma_semaphore, #tpu.memory_space<semaphore_mem>> -> memref<!tpu.dma_semaphore, #tpu.memory_space<semaphore_mem>>
      tpu.wait_indirect_dma semaphore(%dma_wait3A_229 : memref<!tpu.dma_semaphore, #tpu.memory_space<semaphore_mem>>) src(%dma_wait3A_227 : memref<100000x64xf32, #tpu.memory_space<hbm>>) dst(%dma_wait3A_221 : memref<128x64xf32, #tpu.memory_space<vmem>>)
      %jit3A_230 = arith.constant 2 : i32
      %div3A_231 = arith.divsi %add3A_215, %jit3A_230 : i32
      %sign3A_232 = arith.constant 0 : i32
      %sign3A_233 = arith.cmpi sgt, %add3A_215, %sign3A_232 : i32
      %sign3A_234 = arith.extui %sign3A_233 : i1 to i32
      %sign3A_235 = arith.constant 0 : i32
      %sign3A_236 = arith.cmpi slt, %add3A_215, %sign3A_235 : i32
      %sign3A_237 = arith.extui %sign3A_236 : i1 to i32
      %sign3A_238 = arith.subi %sign3A_234, %sign3A_237 : i32
      %sign3A_239 = arith.constant 0 : i32
      %sign3A_240 = arith.cmpi sgt, %jit3A_230, %sign3A_239 : i32
      %sign3A_241 = arith.extui %sign3A_240 : i1 to i32
      %sign3A_242 = arith.constant 0 : i32
      %sign3A_243 = arith.cmpi slt, %jit3A_230, %sign3A_242 : i32
      %sign3A_244 = arith.extui %sign3A_243 : i1 to i32
      %sign3A_245 = arith.subi %sign3A_241, %sign3A_244 : i32
      %ne3A_246 = arith.cmpi ne, %sign3A_238, %sign3A_245 : i32
      %rem3A_247 = arith.remsi %add3A_215, %jit3A_230 : i32
      %ne3A_248 = arith.constant 0 : i32
      %ne3A_249 = arith.cmpi ne, %rem3A_247, %ne3A_248 : i32
      %and3A_250 = arith.andi %ne3A_246, %ne3A_249 : i1
      %sub3A_251 = arith.constant 1 : i32
      %sub3A_252 = arith.subi %div3A_231, %sub3A_251 : i32
      %select_n3A_253 = arith.select %and3A_250, %sub3A_252, %div3A_231 : i32
      %mul3A_254 = arith.constant 4096 : i32
      %mul3A_255 = arith.muli %select_n3A_253, %mul3A_254 : i32
      %add3A_256 = arith.addi %mul3A_255, %mul3A_2 : i32
      %jit3A_257 = arith.constant 2 : i32
      %eq3A_258 = arith.constant 0 : i32
      %eq3A_259 = arith.cmpi eq, %jit3A_257, %eq3A_258 : i32
      %jit3A_260 = arith.constant 1 : i32
      %select_n3A_261 = arith.select %eq3A_259, %jit3A_260, %jit3A_257 : i32
      %rem3A_262 = arith.remsi %add3A_215, %select_n3A_261 : i32
      %ne3A_263 = arith.constant 0 : i32
      %ne3A_264 = arith.cmpi ne, %rem3A_262, %ne3A_263 : i32
      %lt3A_265 = arith.constant 0 : i32
      %lt3A_266 = arith.cmpi slt, %rem3A_262, %lt3A_265 : i32
      %lt3A_267 = arith.constant 0 : i32
      %lt3A_268 = arith.cmpi slt, %select_n3A_261, %lt3A_267 : i32
      %ne3A_269 = arith.xori %lt3A_266, %lt3A_268 : i1
      %and3A_270 = arith.andi %ne3A_269, %ne3A_264 : i1
      %add3A_271 = arith.addi %rem3A_262, %select_n3A_261 : i32
      %select_n3A_272 = arith.select %and3A_270, %add3A_271, %rem3A_262 : i32
      %mul3A_273 = arith.constant 64 : i32
      %mul3A_274 = arith.muli %select_n3A_272, %mul3A_273 : i32
      %run_scoped3A_275 = arith.constant 2 : i32
      "tpu.region"() ({
        %run_scoped3A_427 = tpu.sem_alloc : memref<!tpu.dma_semaphore, #tpu.memory_space<semaphore_mem>>
        %dma_start3A_428 = arith.constant 0 : i32
        %dma_start3A_429 = arith.constant 0 : i32
        %dma_start3A_430 = tpu.memref_slice %arg6[%run_scoped3A_275, %dma_start3A_428, %dma_start3A_429] : memref<5x128x64xf32, #tpu.memory_space<vmem>> -> memref<1x128x64xf32, #tpu.memory_space<vmem>>
        %dma_start3A_431 = tpu.memref_squeeze %dma_start3A_430 : memref<1x128x64xf32, #tpu.memory_space<vmem>> -> memref<128x64xf32, #tpu.memory_space<vmem>>
        %dma_start3A_432 = tpu.memref_slice %arg4[%add3A_256, %mul3A_274] : memref<409600x128xf32, #tpu.memory_space<hbm>> -> memref<128x64xf32, #tpu.memory_space<hbm>>
        %dma_start3A_433 = tpu.memref_slice %arg4[%add3A_256, %mul3A_274] : memref<409600x128xf32, #tpu.memory_space<hbm>> -> memref<128x64xf32, #tpu.memory_space<hbm>>
        %dma_start3A_434 = arith.constant 0 : i32
        %dma_start3A_435 = arith.constant 0 : i32
        %dma_start3A_436 = tpu.memref_slice %arg6[%run_scoped3A_275, %dma_start3A_434, %dma_start3A_435] : memref<5x128x64xf32, #tpu.memory_space<vmem>> -> memref<1x128x64xf32, #tpu.memory_space<vmem>>
        %dma_start3A_437 = tpu.memref_squeeze %dma_start3A_436 : memref<1x128x64xf32, #tpu.memory_space<vmem>> -> memref<128x64xf32, #tpu.memory_space<vmem>>
        tpu.enqueue_dma source(%dma_start3A_437 : memref<128x64xf32, #tpu.memory_space<vmem>>) target(%dma_start3A_433 : memref<128x64xf32, #tpu.memory_space<hbm>>) target_semaphore(%run_scoped3A_427 : memref<!tpu.dma_semaphore, #tpu.memory_space<semaphore_mem>>)
        %dma_wait3A_438 = arith.constant 0 : i32
        %dma_wait3A_439 = arith.constant 0 : i32
        %dma_wait3A_440 = tpu.memref_slice %arg6[%run_scoped3A_275, %dma_wait3A_438, %dma_wait3A_439] : memref<5x128x64xf32, #tpu.memory_space<vmem>> -> memref<1x128x64xf32, #tpu.memory_space<vmem>>
        %dma_wait3A_441 = tpu.memref_squeeze %dma_wait3A_440 : memref<1x128x64xf32, #tpu.memory_space<vmem>> -> memref<128x64xf32, #tpu.memory_space<vmem>>
        %dma_wait3A_442 = tpu.memref_slice %arg4[%add3A_256, %mul3A_274] : memref<409600x128xf32, #tpu.memory_space<hbm>> -> memref<128x64xf32, #tpu.memory_space<hbm>>
        %dma_wait3A_443 = tpu.memref_slice %arg4[%add3A_256, %mul3A_274] : memref<409600x128xf32, #tpu.memory_space<hbm>> -> memref<128x64xf32, #tpu.memory_space<hbm>>
        %dma_wait3A_444 = arith.constant 0 : i32
        %dma_wait3A_445 = arith.constant 0 : i32
        %dma_wait3A_446 = tpu.memref_slice %arg6[%run_scoped3A_275, %dma_wait3A_444, %dma_wait3A_445] : memref<5x128x64xf32, #tpu.memory_space<vmem>> -> memref<1x128x64xf32, #tpu.memory_space<vmem>>
        %dma_wait3A_447 = tpu.memref_squeeze %dma_wait3A_446 : memref<1x128x64xf32, #tpu.memory_space<vmem>> -> memref<128x64xf32, #tpu.memory_space<vmem>>
        tpu.wait_dma2 semaphore(%run_scoped3A_427 : memref<!tpu.dma_semaphore, #tpu.memory_space<semaphore_mem>>) src(%dma_wait3A_447 : memref<128x64xf32, #tpu.memory_space<vmem>>) dst(%dma_wait3A_443 : memref<128x64xf32, #tpu.memory_space<hbm>>)
        tpu.yield
      }) : () -> ()
      %add3A_276 = arith.constant 2 : i32
      %add3A_277 = arith.addi %add3A_85, %add3A_276 : i32
      %add3A_278 = arith.constant 5 : i32
      %add3A_279 = arith.addi %add3A_277, %add3A_278 : i32
      %lt3A_280 = arith.constant 200 : i32
      %lt3A_281 = arith.cmpi slt, %add3A_279, %lt3A_280 : i32
      %convert_element_type3A_282 = arith.extui %lt3A_281 : i1 to i32
      %cond3A_283 = arith.constant 0 : i32
      %cond3A_284 = arith.cmpi ne, %convert_element_type3A_282, %cond3A_283 : i32
      scf.if %cond3A_284 {
        %add3A_427 = arith.constant 2 : i32
        %add3A_428 = arith.addi %add3A_85, %add3A_427 : i32
        %add3A_429 = arith.constant 5 : i32
        %add3A_430 = arith.addi %add3A_428, %add3A_429 : i32
        %dma_start3A_431 = arith.constant 2 : i32
        %dma_start3A_432 = arith.constant 2 : i32
        %dma_start3A_433 = arith.constant 0 : i32
        %dma_start3A_434 = arith.constant 0 : i32
        %dma_start3A_435 = tpu.memref_slice %arg6[%dma_start3A_431, %dma_start3A_433, %dma_start3A_434] : memref<5x128x64xf32, #tpu.memory_space<vmem>> -> memref<1x128x64xf32, #tpu.memory_space<vmem>>
        %dma_start3A_436 = tpu.memref_squeeze %dma_start3A_435 : memref<1x128x64xf32, #tpu.memory_space<vmem>> -> memref<128x64xf32, #tpu.memory_space<vmem>>
        %dma_start3A_437 = arith.constant 0 : i32
        %dma_start3A_438 = tpu.memref_slice %arg5[%add3A_430, %dma_start3A_437] : memref<200x128xi32, #tpu.memory_space<vmem>> -> memref<1x128xi32, #tpu.memory_space<vmem>>
        %dma_start3A_439 = tpu.memref_squeeze %dma_start3A_438 : memref<1x128xi32, #tpu.memory_space<vmem>> -> memref<128xi32, #tpu.memory_space<vmem>>
        %dma_start3A_440 = arith.constant 0 : i32
        %dma_start3A_441 = arith.constant 0 : i32
        %dma_start3A_442 = tpu.memref_slice %arg2[%dma_start3A_440, %dma_start3A_441] : memref<100000x64xf32, #tpu.memory_space<hbm>> -> memref<100000x64xf32, #tpu.memory_space<hbm>>
        %dma_start3A_443 = tpu.memref_slice %arg7[%dma_start3A_432] : memref<5x!tpu.dma_semaphore, #tpu.memory_space<semaphore_mem>> -> memref<1x!tpu.dma_semaphore, #tpu.memory_space<semaphore_mem>>
        %dma_start3A_444 = tpu.memref_squeeze %dma_start3A_443 : memref<1x!tpu.dma_semaphore, #tpu.memory_space<semaphore_mem>> -> memref<!tpu.dma_semaphore, #tpu.memory_space<semaphore_mem>>
        tpu.enqueue_indirect_dma source(%dma_start3A_442 : memref<100000x64xf32, #tpu.memory_space<hbm>>) target(%dma_start3A_436 : memref<128x64xf32, #tpu.memory_space<vmem>>) offsets(%dma_start3A_439 : memref<128xi32, #tpu.memory_space<vmem>>) semaphore(%dma_start3A_444 : memref<!tpu.dma_semaphore, #tpu.memory_space<semaphore_mem>>)
      } else {
      }
      %add3A_285 = arith.constant 3 : i32
      %add3A_286 = arith.addi %add3A_85, %add3A_285 : i32
      %dma_wait3A_287 = arith.constant 3 : i32
      %dma_wait3A_288 = arith.constant 3 : i32
      %dma_wait3A_289 = arith.constant 0 : i32
      %dma_wait3A_290 = arith.constant 0 : i32
      %dma_wait3A_291 = tpu.memref_slice %arg6[%dma_wait3A_287, %dma_wait3A_289, %dma_wait3A_290] : memref<5x128x64xf32, #tpu.memory_space<vmem>> -> memref<1x128x64xf32, #tpu.memory_space<vmem>>
      %dma_wait3A_292 = tpu.memref_squeeze %dma_wait3A_291 : memref<1x128x64xf32, #tpu.memory_space<vmem>> -> memref<128x64xf32, #tpu.memory_space<vmem>>
      %dma_wait3A_293 = arith.constant 0 : i32
      %dma_wait3A_294 = tpu.memref_slice %arg5[%add3A_286, %dma_wait3A_293] : memref<200x128xi32, #tpu.memory_space<vmem>> -> memref<1x128xi32, #tpu.memory_space<vmem>>
      %dma_wait3A_295 = tpu.memref_squeeze %dma_wait3A_294 : memref<1x128xi32, #tpu.memory_space<vmem>> -> memref<128xi32, #tpu.memory_space<vmem>>
      %dma_wait3A_296 = arith.constant 0 : i32
      %dma_wait3A_297 = arith.constant 0 : i32
      %dma_wait3A_298 = tpu.memref_slice %arg2[%dma_wait3A_296, %dma_wait3A_297] : memref<100000x64xf32, #tpu.memory_space<hbm>> -> memref<100000x64xf32, #tpu.memory_space<hbm>>
      %dma_wait3A_299 = tpu.memref_slice %arg7[%dma_wait3A_288] : memref<5x!tpu.dma_semaphore, #tpu.memory_space<semaphore_mem>> -> memref<1x!tpu.dma_semaphore, #tpu.memory_space<semaphore_mem>>
      %dma_wait3A_300 = tpu.memref_squeeze %dma_wait3A_299 : memref<1x!tpu.dma_semaphore, #tpu.memory_space<semaphore_mem>> -> memref<!tpu.dma_semaphore, #tpu.memory_space<semaphore_mem>>
      tpu.wait_indirect_dma semaphore(%dma_wait3A_300 : memref<!tpu.dma_semaphore, #tpu.memory_space<semaphore_mem>>) src(%dma_wait3A_298 : memref<100000x64xf32, #tpu.memory_space<hbm>>) dst(%dma_wait3A_292 : memref<128x64xf32, #tpu.memory_space<vmem>>)
      %jit3A_301 = arith.constant 2 : i32
      %div3A_302 = arith.divsi %add3A_286, %jit3A_301 : i32
      %sign3A_303 = arith.constant 0 : i32
      %sign3A_304 = arith.cmpi sgt, %add3A_286, %sign3A_303 : i32
      %sign3A_305 = arith.extui %sign3A_304 : i1 to i32
      %sign3A_306 = arith.constant 0 : i32
      %sign3A_307 = arith.cmpi slt, %add3A_286, %sign3A_306 : i32
      %sign3A_308 = arith.extui %sign3A_307 : i1 to i32
      %sign3A_309 = arith.subi %sign3A_305, %sign3A_308 : i32
      %sign3A_310 = arith.constant 0 : i32
      %sign3A_311 = arith.cmpi sgt, %jit3A_301, %sign3A_310 : i32
      %sign3A_312 = arith.extui %sign3A_311 : i1 to i32
      %sign3A_313 = arith.constant 0 : i32
      %sign3A_314 = arith.cmpi slt, %jit3A_301, %sign3A_313 : i32
      %sign3A_315 = arith.extui %sign3A_314 : i1 to i32
      %sign3A_316 = arith.subi %sign3A_312, %sign3A_315 : i32
      %ne3A_317 = arith.cmpi ne, %sign3A_309, %sign3A_316 : i32
      %rem3A_318 = arith.remsi %add3A_286, %jit3A_301 : i32
      %ne3A_319 = arith.constant 0 : i32
      %ne3A_320 = arith.cmpi ne, %rem3A_318, %ne3A_319 : i32
      %and3A_321 = arith.andi %ne3A_317, %ne3A_320 : i1
      %sub3A_322 = arith.constant 1 : i32
      %sub3A_323 = arith.subi %div3A_302, %sub3A_322 : i32
      %select_n3A_324 = arith.select %and3A_321, %sub3A_323, %div3A_302 : i32
      %mul3A_325 = arith.constant 4096 : i32
      %mul3A_326 = arith.muli %select_n3A_324, %mul3A_325 : i32
      %add3A_327 = arith.addi %mul3A_326, %mul3A_2 : i32
      %jit3A_328 = arith.constant 2 : i32
      %eq3A_329 = arith.constant 0 : i32
      %eq3A_330 = arith.cmpi eq, %jit3A_328, %eq3A_329 : i32
      %jit3A_331 = arith.constant 1 : i32
      %select_n3A_332 = arith.select %eq3A_330, %jit3A_331, %jit3A_328 : i32
      %rem3A_333 = arith.remsi %add3A_286, %select_n3A_332 : i32
      %ne3A_334 = arith.constant 0 : i32
      %ne3A_335 = arith.cmpi ne, %rem3A_333, %ne3A_334 : i32
      %lt3A_336 = arith.constant 0 : i32
      %lt3A_337 = arith.cmpi slt, %rem3A_333, %lt3A_336 : i32
      %lt3A_338 = arith.constant 0 : i32
      %lt3A_339 = arith.cmpi slt, %select_n3A_332, %lt3A_338 : i32
      %ne3A_340 = arith.xori %lt3A_337, %lt3A_339 : i1
      %and3A_341 = arith.andi %ne3A_340, %ne3A_335 : i1
      %add3A_342 = arith.addi %rem3A_333, %select_n3A_332 : i32
      %select_n3A_343 = arith.select %and3A_341, %add3A_342, %rem3A_333 : i32
      %mul3A_344 = arith.constant 64 : i32
      %mul3A_345 = arith.muli %select_n3A_343, %mul3A_344 : i32
      %run_scoped3A_346 = arith.constant 3 : i32
      "tpu.region"() ({
        %run_scoped3A_427 = tpu.sem_alloc : memref<!tpu.dma_semaphore, #tpu.memory_space<semaphore_mem>>
        %dma_start3A_428 = arith.constant 0 : i32
        %dma_start3A_429 = arith.constant 0 : i32
        %dma_start3A_430 = tpu.memref_slice %arg6[%run_scoped3A_346, %dma_start3A_428, %dma_start3A_429] : memref<5x128x64xf32, #tpu.memory_space<vmem>> -> memref<1x128x64xf32, #tpu.memory_space<vmem>>
        %dma_start3A_431 = tpu.memref_squeeze %dma_start3A_430 : memref<1x128x64xf32, #tpu.memory_space<vmem>> -> memref<128x64xf32, #tpu.memory_space<vmem>>
        %dma_start3A_432 = tpu.memref_slice %arg4[%add3A_327, %mul3A_345] : memref<409600x128xf32, #tpu.memory_space<hbm>> -> memref<128x64xf32, #tpu.memory_space<hbm>>
        %dma_start3A_433 = tpu.memref_slice %arg4[%add3A_327, %mul3A_345] : memref<409600x128xf32, #tpu.memory_space<hbm>> -> memref<128x64xf32, #tpu.memory_space<hbm>>
        %dma_start3A_434 = arith.constant 0 : i32
        %dma_start3A_435 = arith.constant 0 : i32
        %dma_start3A_436 = tpu.memref_slice %arg6[%run_scoped3A_346, %dma_start3A_434, %dma_start3A_435] : memref<5x128x64xf32, #tpu.memory_space<vmem>> -> memref<1x128x64xf32, #tpu.memory_space<vmem>>
        %dma_start3A_437 = tpu.memref_squeeze %dma_start3A_436 : memref<1x128x64xf32, #tpu.memory_space<vmem>> -> memref<128x64xf32, #tpu.memory_space<vmem>>
        tpu.enqueue_dma source(%dma_start3A_437 : memref<128x64xf32, #tpu.memory_space<vmem>>) target(%dma_start3A_433 : memref<128x64xf32, #tpu.memory_space<hbm>>) target_semaphore(%run_scoped3A_427 : memref<!tpu.dma_semaphore, #tpu.memory_space<semaphore_mem>>)
        %dma_wait3A_438 = arith.constant 0 : i32
        %dma_wait3A_439 = arith.constant 0 : i32
        %dma_wait3A_440 = tpu.memref_slice %arg6[%run_scoped3A_346, %dma_wait3A_438, %dma_wait3A_439] : memref<5x128x64xf32, #tpu.memory_space<vmem>> -> memref<1x128x64xf32, #tpu.memory_space<vmem>>
        %dma_wait3A_441 = tpu.memref_squeeze %dma_wait3A_440 : memref<1x128x64xf32, #tpu.memory_space<vmem>> -> memref<128x64xf32, #tpu.memory_space<vmem>>
        %dma_wait3A_442 = tpu.memref_slice %arg4[%add3A_327, %mul3A_345] : memref<409600x128xf32, #tpu.memory_space<hbm>> -> memref<128x64xf32, #tpu.memory_space<hbm>>
        %dma_wait3A_443 = tpu.memref_slice %arg4[%add3A_327, %mul3A_345] : memref<409600x128xf32, #tpu.memory_space<hbm>> -> memref<128x64xf32, #tpu.memory_space<hbm>>
        %dma_wait3A_444 = arith.constant 0 : i32
        %dma_wait3A_445 = arith.constant 0 : i32
        %dma_wait3A_446 = tpu.memref_slice %arg6[%run_scoped3A_346, %dma_wait3A_444, %dma_wait3A_445] : memref<5x128x64xf32, #tpu.memory_space<vmem>> -> memref<1x128x64xf32, #tpu.memory_space<vmem>>
        %dma_wait3A_447 = tpu.memref_squeeze %dma_wait3A_446 : memref<1x128x64xf32, #tpu.memory_space<vmem>> -> memref<128x64xf32, #tpu.memory_space<vmem>>
        tpu.wait_dma2 semaphore(%run_scoped3A_427 : memref<!tpu.dma_semaphore, #tpu.memory_space<semaphore_mem>>) src(%dma_wait3A_447 : memref<128x64xf32, #tpu.memory_space<vmem>>) dst(%dma_wait3A_443 : memref<128x64xf32, #tpu.memory_space<hbm>>)
        tpu.yield
      }) : () -> ()
      %add3A_347 = arith.constant 3 : i32
      %add3A_348 = arith.addi %add3A_85, %add3A_347 : i32
      %add3A_349 = arith.constant 5 : i32
      %add3A_350 = arith.addi %add3A_348, %add3A_349 : i32
      %lt3A_351 = arith.constant 200 : i32
      %lt3A_352 = arith.cmpi slt, %add3A_350, %lt3A_351 : i32
      %convert_element_type3A_353 = arith.extui %lt3A_352 : i1 to i32
      %cond3A_354 = arith.constant 0 : i32
      %cond3A_355 = arith.cmpi ne, %convert_element_type3A_353, %cond3A_354 : i32
      scf.if %cond3A_355 {
        %add3A_427 = arith.constant 3 : i32
        %add3A_428 = arith.addi %add3A_85, %add3A_427 : i32
        %add3A_429 = arith.constant 5 : i32
        %add3A_430 = arith.addi %add3A_428, %add3A_429 : i32
        %dma_start3A_431 = arith.constant 3 : i32
        %dma_start3A_432 = arith.constant 3 : i32
        %dma_start3A_433 = arith.constant 0 : i32
        %dma_start3A_434 = arith.constant 0 : i32
        %dma_start3A_435 = tpu.memref_slice %arg6[%dma_start3A_431, %dma_start3A_433, %dma_start3A_434] : memref<5x128x64xf32, #tpu.memory_space<vmem>> -> memref<1x128x64xf32, #tpu.memory_space<vmem>>
        %dma_start3A_436 = tpu.memref_squeeze %dma_start3A_435 : memref<1x128x64xf32, #tpu.memory_space<vmem>> -> memref<128x64xf32, #tpu.memory_space<vmem>>
        %dma_start3A_437 = arith.constant 0 : i32
        %dma_start3A_438 = tpu.memref_slice %arg5[%add3A_430, %dma_start3A_437] : memref<200x128xi32, #tpu.memory_space<vmem>> -> memref<1x128xi32, #tpu.memory_space<vmem>>
        %dma_start3A_439 = tpu.memref_squeeze %dma_start3A_438 : memref<1x128xi32, #tpu.memory_space<vmem>> -> memref<128xi32, #tpu.memory_space<vmem>>
        %dma_start3A_440 = arith.constant 0 : i32
        %dma_start3A_441 = arith.constant 0 : i32
        %dma_start3A_442 = tpu.memref_slice %arg2[%dma_start3A_440, %dma_start3A_441] : memref<100000x64xf32, #tpu.memory_space<hbm>> -> memref<100000x64xf32, #tpu.memory_space<hbm>>
        %dma_start3A_443 = tpu.memref_slice %arg7[%dma_start3A_432] : memref<5x!tpu.dma_semaphore, #tpu.memory_space<semaphore_mem>> -> memref<1x!tpu.dma_semaphore, #tpu.memory_space<semaphore_mem>>
        %dma_start3A_444 = tpu.memref_squeeze %dma_start3A_443 : memref<1x!tpu.dma_semaphore, #tpu.memory_space<semaphore_mem>> -> memref<!tpu.dma_semaphore, #tpu.memory_space<semaphore_mem>>
        tpu.enqueue_indirect_dma source(%dma_start3A_442 : memref<100000x64xf32, #tpu.memory_space<hbm>>) target(%dma_start3A_436 : memref<128x64xf32, #tpu.memory_space<vmem>>) offsets(%dma_start3A_439 : memref<128xi32, #tpu.memory_space<vmem>>) semaphore(%dma_start3A_444 : memref<!tpu.dma_semaphore, #tpu.memory_space<semaphore_mem>>)
      } else {
      }
      %add3A_356 = arith.constant 4 : i32
      %add3A_357 = arith.addi %add3A_85, %add3A_356 : i32
      %dma_wait3A_358 = arith.constant 4 : i32
      %dma_wait3A_359 = arith.constant 4 : i32
      %dma_wait3A_360 = arith.constant 0 : i32
      %dma_wait3A_361 = arith.constant 0 : i32
      %dma_wait3A_362 = tpu.memref_slice %arg6[%dma_wait3A_358, %dma_wait3A_360, %dma_wait3A_361] : memref<5x128x64xf32, #tpu.memory_space<vmem>> -> memref<1x128x64xf32, #tpu.memory_space<vmem>>
      %dma_wait3A_363 = tpu.memref_squeeze %dma_wait3A_362 : memref<1x128x64xf32, #tpu.memory_space<vmem>> -> memref<128x64xf32, #tpu.memory_space<vmem>>
      %dma_wait3A_364 = arith.constant 0 : i32
      %dma_wait3A_365 = tpu.memref_slice %arg5[%add3A_357, %dma_wait3A_364] : memref<200x128xi32, #tpu.memory_space<vmem>> -> memref<1x128xi32, #tpu.memory_space<vmem>>
      %dma_wait3A_366 = tpu.memref_squeeze %dma_wait3A_365 : memref<1x128xi32, #tpu.memory_space<vmem>> -> memref<128xi32, #tpu.memory_space<vmem>>
      %dma_wait3A_367 = arith.constant 0 : i32
      %dma_wait3A_368 = arith.constant 0 : i32
      %dma_wait3A_369 = tpu.memref_slice %arg2[%dma_wait3A_367, %dma_wait3A_368] : memref<100000x64xf32, #tpu.memory_space<hbm>> -> memref<100000x64xf32, #tpu.memory_space<hbm>>
      %dma_wait3A_370 = tpu.memref_slice %arg7[%dma_wait3A_359] : memref<5x!tpu.dma_semaphore, #tpu.memory_space<semaphore_mem>> -> memref<1x!tpu.dma_semaphore, #tpu.memory_space<semaphore_mem>>
      %dma_wait3A_371 = tpu.memref_squeeze %dma_wait3A_370 : memref<1x!tpu.dma_semaphore, #tpu.memory_space<semaphore_mem>> -> memref<!tpu.dma_semaphore, #tpu.memory_space<semaphore_mem>>
      tpu.wait_indirect_dma semaphore(%dma_wait3A_371 : memref<!tpu.dma_semaphore, #tpu.memory_space<semaphore_mem>>) src(%dma_wait3A_369 : memref<100000x64xf32, #tpu.memory_space<hbm>>) dst(%dma_wait3A_363 : memref<128x64xf32, #tpu.memory_space<vmem>>)
      %jit3A_372 = arith.constant 2 : i32
      %div3A_373 = arith.divsi %add3A_357, %jit3A_372 : i32
      %sign3A_374 = arith.constant 0 : i32
      %sign3A_375 = arith.cmpi sgt, %add3A_357, %sign3A_374 : i32
      %sign3A_376 = arith.extui %sign3A_375 : i1 to i32
      %sign3A_377 = arith.constant 0 : i32
      %sign3A_378 = arith.cmpi slt, %add3A_357, %sign3A_377 : i32
      %sign3A_379 = arith.extui %sign3A_378 : i1 to i32
      %sign3A_380 = arith.subi %sign3A_376, %sign3A_379 : i32
      %sign3A_381 = arith.constant 0 : i32
      %sign3A_382 = arith.cmpi sgt, %jit3A_372, %sign3A_381 : i32
      %sign3A_383 = arith.extui %sign3A_382 : i1 to i32
      %sign3A_384 = arith.constant 0 : i32
      %sign3A_385 = arith.cmpi slt, %jit3A_372, %sign3A_384 : i32
      %sign3A_386 = arith.extui %sign3A_385 : i1 to i32
      %sign3A_387 = arith.subi %sign3A_383, %sign3A_386 : i32
      %ne3A_388 = arith.cmpi ne, %sign3A_380, %sign3A_387 : i32
      %rem3A_389 = arith.remsi %add3A_357, %jit3A_372 : i32
      %ne3A_390 = arith.constant 0 : i32
      %ne3A_391 = arith.cmpi ne, %rem3A_389, %ne3A_390 : i32
      %and3A_392 = arith.andi %ne3A_388, %ne3A_391 : i1
      %sub3A_393 = arith.constant 1 : i32
      %sub3A_394 = arith.subi %div3A_373, %sub3A_393 : i32
      %select_n3A_395 = arith.select %and3A_392, %sub3A_394, %div3A_373 : i32
      %mul3A_396 = arith.constant 4096 : i32
      %mul3A_397 = arith.muli %select_n3A_395, %mul3A_396 : i32
      %add3A_398 = arith.addi %mul3A_397, %mul3A_2 : i32
      %jit3A_399 = arith.constant 2 : i32
      %eq3A_400 = arith.constant 0 : i32
      %eq3A_401 = arith.cmpi eq, %jit3A_399, %eq3A_400 : i32
      %jit3A_402 = arith.constant 1 : i32
      %select_n3A_403 = arith.select %eq3A_401, %jit3A_402, %jit3A_399 : i32
      %rem3A_404 = arith.remsi %add3A_357, %select_n3A_403 : i32
      %ne3A_405 = arith.constant 0 : i32
      %ne3A_406 = arith.cmpi ne, %rem3A_404, %ne3A_405 : i32
      %lt3A_407 = arith.constant 0 : i32
      %lt3A_408 = arith.cmpi slt, %rem3A_404, %lt3A_407 : i32
      %lt3A_409 = arith.constant 0 : i32
      %lt3A_410 = arith.cmpi slt, %select_n3A_403, %lt3A_409 : i32
      %ne3A_411 = arith.xori %lt3A_408, %lt3A_410 : i1
      %and3A_412 = arith.andi %ne3A_411, %ne3A_406 : i1
      %add3A_413 = arith.addi %rem3A_404, %select_n3A_403 : i32
      %select_n3A_414 = arith.select %and3A_412, %add3A_413, %rem3A_404 : i32
      %mul3A_415 = arith.constant 64 : i32
      %mul3A_416 = arith.muli %select_n3A_414, %mul3A_415 : i32
      %run_scoped3A_417 = arith.constant 4 : i32
      "tpu.region"() ({
        %run_scoped3A_427 = tpu.sem_alloc : memref<!tpu.dma_semaphore, #tpu.memory_space<semaphore_mem>>
        %dma_start3A_428 = arith.constant 0 : i32
        %dma_start3A_429 = arith.constant 0 : i32
        %dma_start3A_430 = tpu.memref_slice %arg6[%run_scoped3A_417, %dma_start3A_428, %dma_start3A_429] : memref<5x128x64xf32, #tpu.memory_space<vmem>> -> memref<1x128x64xf32, #tpu.memory_space<vmem>>
        %dma_start3A_431 = tpu.memref_squeeze %dma_start3A_430 : memref<1x128x64xf32, #tpu.memory_space<vmem>> -> memref<128x64xf32, #tpu.memory_space<vmem>>
        %dma_start3A_432 = tpu.memref_slice %arg4[%add3A_398, %mul3A_416] : memref<409600x128xf32, #tpu.memory_space<hbm>> -> memref<128x64xf32, #tpu.memory_space<hbm>>
        %dma_start3A_433 = tpu.memref_slice %arg4[%add3A_398, %mul3A_416] : memref<409600x128xf32, #tpu.memory_space<hbm>> -> memref<128x64xf32, #tpu.memory_space<hbm>>
        %dma_start3A_434 = arith.constant 0 : i32
        %dma_start3A_435 = arith.constant 0 : i32
        %dma_start3A_436 = tpu.memref_slice %arg6[%run_scoped3A_417, %dma_start3A_434, %dma_start3A_435] : memref<5x128x64xf32, #tpu.memory_space<vmem>> -> memref<1x128x64xf32, #tpu.memory_space<vmem>>
        %dma_start3A_437 = tpu.memref_squeeze %dma_start3A_436 : memref<1x128x64xf32, #tpu.memory_space<vmem>> -> memref<128x64xf32, #tpu.memory_space<vmem>>
        tpu.enqueue_dma source(%dma_start3A_437 : memref<128x64xf32, #tpu.memory_space<vmem>>) target(%dma_start3A_433 : memref<128x64xf32, #tpu.memory_space<hbm>>) target_semaphore(%run_scoped3A_427 : memref<!tpu.dma_semaphore, #tpu.memory_space<semaphore_mem>>)
        %dma_wait3A_438 = arith.constant 0 : i32
        %dma_wait3A_439 = arith.constant 0 : i32
        %dma_wait3A_440 = tpu.memref_slice %arg6[%run_scoped3A_417, %dma_wait3A_438, %dma_wait3A_439] : memref<5x128x64xf32, #tpu.memory_space<vmem>> -> memref<1x128x64xf32, #tpu.memory_space<vmem>>
        %dma_wait3A_441 = tpu.memref_squeeze %dma_wait3A_440 : memref<1x128x64xf32, #tpu.memory_space<vmem>> -> memref<128x64xf32, #tpu.memory_space<vmem>>
        %dma_wait3A_442 = tpu.memref_slice %arg4[%add3A_398, %mul3A_416] : memref<409600x128xf32, #tpu.memory_space<hbm>> -> memref<128x64xf32, #tpu.memory_space<hbm>>
        %dma_wait3A_443 = tpu.memref_slice %arg4[%add3A_398, %mul3A_416] : memref<409600x128xf32, #tpu.memory_space<hbm>> -> memref<128x64xf32, #tpu.memory_space<hbm>>
        %dma_wait3A_444 = arith.constant 0 : i32
        %dma_wait3A_445 = arith.constant 0 : i32
        %dma_wait3A_446 = tpu.memref_slice %arg6[%run_scoped3A_417, %dma_wait3A_444, %dma_wait3A_445] : memref<5x128x64xf32, #tpu.memory_space<vmem>> -> memref<1x128x64xf32, #tpu.memory_space<vmem>>
        %dma_wait3A_447 = tpu.memref_squeeze %dma_wait3A_446 : memref<1x128x64xf32, #tpu.memory_space<vmem>> -> memref<128x64xf32, #tpu.memory_space<vmem>>
        tpu.wait_dma2 semaphore(%run_scoped3A_427 : memref<!tpu.dma_semaphore, #tpu.memory_space<semaphore_mem>>) src(%dma_wait3A_447 : memref<128x64xf32, #tpu.memory_space<vmem>>) dst(%dma_wait3A_443 : memref<128x64xf32, #tpu.memory_space<hbm>>)
        tpu.yield
      }) : () -> ()
      %add3A_418 = arith.constant 4 : i32
      %add3A_419 = arith.addi %add3A_85, %add3A_418 : i32
      %add3A_420 = arith.constant 5 : i32
      %add3A_421 = arith.addi %add3A_419, %add3A_420 : i32
      %lt3A_422 = arith.constant 200 : i32
      %lt3A_423 = arith.cmpi slt, %add3A_421, %lt3A_422 : i32
      %convert_element_type3A_424 = arith.extui %lt3A_423 : i1 to i32
      %cond3A_425 = arith.constant 0 : i32
      %cond3A_426 = arith.cmpi ne, %convert_element_type3A_424, %cond3A_425 : i32
      scf.if %cond3A_426 {
        %add3A_427 = arith.constant 4 : i32
        %add3A_428 = arith.addi %add3A_85, %add3A_427 : i32
        %add3A_429 = arith.constant 5 : i32
        %add3A_430 = arith.addi %add3A_428, %add3A_429 : i32
        %dma_start3A_431 = arith.constant 4 : i32
        %dma_start3A_432 = arith.constant 4 : i32
        %dma_start3A_433 = arith.constant 0 : i32
        %dma_start3A_434 = arith.constant 0 : i32
        %dma_start3A_435 = tpu.memref_slice %arg6[%dma_start3A_431, %dma_start3A_433, %dma_start3A_434] : memref<5x128x64xf32, #tpu.memory_space<vmem>> -> memref<1x128x64xf32, #tpu.memory_space<vmem>>
        %dma_start3A_436 = tpu.memref_squeeze %dma_start3A_435 : memref<1x128x64xf32, #tpu.memory_space<vmem>> -> memref<128x64xf32, #tpu.memory_space<vmem>>
        %dma_start3A_437 = arith.constant 0 : i32
        %dma_start3A_438 = tpu.memref_slice %arg5[%add3A_430, %dma_start3A_437] : memref<200x128xi32, #tpu.memory_space<vmem>> -> memref<1x128xi32, #tpu.memory_space<vmem>>
        %dma_start3A_439 = tpu.memref_squeeze %dma_start3A_438 : memref<1x128xi32, #tpu.memory_space<vmem>> -> memref<128xi32, #tpu.memory_space<vmem>>
        %dma_start3A_440 = arith.constant 0 : i32
        %dma_start3A_441 = arith.constant 0 : i32
        %dma_start3A_442 = tpu.memref_slice %arg2[%dma_start3A_440, %dma_start3A_441] : memref<100000x64xf32, #tpu.memory_space<hbm>> -> memref<100000x64xf32, #tpu.memory_space<hbm>>
        %dma_start3A_443 = tpu.memref_slice %arg7[%dma_start3A_432] : memref<5x!tpu.dma_semaphore, #tpu.memory_space<semaphore_mem>> -> memref<1x!tpu.dma_semaphore, #tpu.memory_space<semaphore_mem>>
        %dma_start3A_444 = tpu.memref_squeeze %dma_start3A_443 : memref<1x!tpu.dma_semaphore, #tpu.memory_space<semaphore_mem>> -> memref<!tpu.dma_semaphore, #tpu.memory_space<semaphore_mem>>
        tpu.enqueue_indirect_dma source(%dma_start3A_442 : memref<100000x64xf32, #tpu.memory_space<hbm>>) target(%dma_start3A_436 : memref<128x64xf32, #tpu.memory_space<vmem>>) offsets(%dma_start3A_439 : memref<128xi32, #tpu.memory_space<vmem>>) semaphore(%dma_start3A_444 : memref<!tpu.dma_semaphore, #tpu.memory_space<semaphore_mem>>)
      } else {
      }
    }
    %scan3A_80 = arith.constant 40 : i32
    return
  }
}

module attributes {stable_mosaic.version = 14 : i64} {
  func.func @_transpose_ids_body(%arg0: i32, %arg1: memref<1024x200xi32, #tpu.memory_space<vmem>>, %arg2: memref<200x8x128xi32, #tpu.memory_space<vmem>>) attributes {dimension_semantics = [#tpu.dimension_semantics<arbitrary>], iteration_bounds = array<i64: 4>, scalar_prefetch = 0 : i64, scratch_operands = 0 : i64, tpu.core_type = #tpu.core_type<tc>, window_params = [{transform_indices = @transform_0, window_bounds = array<i64: 1024, 200>}, {transform_indices = @transform_1, window_bounds = array<i64: 200, 8, 128>}]} {
    %get3A = arith.constant 0 : index
    %get3A_0 = arith.constant 0 : index
    %get3A_1 = vector.load %arg1[%get3A, %get3A_0] : memref<1024x200xi32, #tpu.memory_space<vmem>>, vector<1024x200xi32>
    %transpose3A = tpu.transpose %get3A_1, [1, 0] : vector<1024x200xi32> -> vector<200x1024xi32>
    %reshape3A = vector.shape_cast %transpose3A : vector<200x1024xi32> to vector<200x8x128xi32>
    %swap3A = arith.constant 0 : index
    %swap3A_2 = arith.constant 0 : index
    %swap3A_3 = arith.constant 0 : index
    %swap3A_4 = vector.load %arg2[%swap3A, %swap3A_2, %swap3A_3] : memref<200x8x128xi32, #tpu.memory_space<vmem>>, vector<200x8x128xi32>
    tpu.vector_store %arg2[%swap3A, %swap3A_2, %swap3A_3], %reshape3A {strides = array<i32>} : memref<200x8x128xi32, #tpu.memory_space<vmem>>, vector<200x8x128xi32>,
    return
  }
  func.func @transform_0(%arg0: i32) -> (i32, i32) {
    %c0_i32 = arith.constant 0 : i32
    %c0_i32_0 = arith.constant 0 : i32
    return %arg0, %c0_i32 : i32, i32
  }
  func.func @transform_1(%arg0: i32) -> (i32, i32, i32) {
    %c0_i32 = arith.constant 0 : i32
    %c0_i32_0 = arith.constant 0 : i32
    %c0_i32_1 = arith.constant 0 : i32
    return %c0_i32, %arg0, %c0_i32_0 : i32, i32, i32
  }
}

module attributes {stable_mosaic.version = 14 : i64} {
  func.func @_finish_body(%arg0: i32, %arg1: memref<4096x128xf32, #tpu.memory_space<vmem>>, %arg2: memref<2x64x4096xf32, #tpu.memory_space<vmem>>) attributes {dimension_semantics = [#tpu.dimension_semantics<arbitrary>], iteration_bounds = array<i64: 100>, scalar_prefetch = 0 : i64, scratch_operands = 0 : i64, tpu.core_type = #tpu.core_type<tc>, window_params = [{transform_indices = @transform_0, window_bounds = array<i64: 4096, 128>}, {transform_indices = @transform_1, window_bounds = array<i64: 2, 64, 4096>}]} {
    %get3A = arith.constant 0 : index
    %get3A_0 = arith.constant 0 : index
    %get3A_1 = vector.load %arg1[%get3A, %get3A_0] : memref<4096x128xf32, #tpu.memory_space<vmem>>, vector<4096x128xf32>
    %mul3A = arith.constant 8.000000e+00 : f32
    %mul3A_2 = vector.broadcast %mul3A : f32 to vector<4096x128xf32>
    %mul3A_3 = arith.mulf %get3A_1, %mul3A_2 : vector<4096x128xf32>
    %transpose3A = tpu.transpose %mul3A_3, [1, 0] : vector<4096x128xf32> -> vector<128x4096xf32>
    %slice3A = vector.extract_strided_slice %transpose3A {offsets = [0, 0], sizes = [64, 4096], strides = [1, 1]} : vector<128x4096xf32> to vector<64x4096xf32>
    %swap3A = arith.constant 0 : index
    %swap3A_4 = arith.constant 0 : index
    %swap3A_5 = arith.constant 0 : index
    %swap3A_6 = vector.load %arg2[%swap3A, %swap3A_4, %swap3A_5] : memref<2x64x4096xf32, #tpu.memory_space<vmem>>, vector<1x64x4096xf32>
    %swap3A_7 = vector.shape_cast %swap3A_6 : vector<1x64x4096xf32> to vector<64x4096xf32>
    %swap3A_8 = vector.shape_cast %slice3A : vector<64x4096xf32> to vector<1x64x4096xf32>
    tpu.vector_store %arg2[%swap3A, %swap3A_4, %swap3A_5], %swap3A_8 {strides = array<i32>} : memref<2x64x4096xf32, #tpu.memory_space<vmem>>, vector<1x64x4096xf32>,
    %slice3A_9 = vector.extract_strided_slice %transpose3A {offsets = [64, 0], sizes = [64, 4096], strides = [1, 1]} : vector<128x4096xf32> to vector<64x4096xf32>
    %swap3A_10 = arith.constant 1 : index
    %swap3A_11 = arith.constant 0 : index
    %swap3A_12 = arith.constant 0 : index
    %swap3A_13 = vector.load %arg2[%swap3A_10, %swap3A_11, %swap3A_12] : memref<2x64x4096xf32, #tpu.memory_space<vmem>>, vector<1x64x4096xf32>
    %swap3A_14 = vector.shape_cast %swap3A_13 : vector<1x64x4096xf32> to vector<64x4096xf32>
    %swap3A_15 = vector.shape_cast %slice3A_9 : vector<64x4096xf32> to vector<1x64x4096xf32>
    tpu.vector_store %arg2[%swap3A_10, %swap3A_11, %swap3A_12], %swap3A_15 {strides = array<i32>} : memref<2x64x4096xf32, #tpu.memory_space<vmem>>, vector<1x64x4096xf32>,
    return
  }
  func.func @transform_0(%arg0: i32) -> (i32, i32) {
    %c0_i32 = arith.constant 0 : i32
    %c0_i32_0 = arith.constant 0 : i32
    return %arg0, %c0_i32 : i32, i32
  }
  func.func @transform_1(%arg0: i32) -> (i32, i32, i32) {
    %c0_i32 = arith.constant 0 : i32
    %c0_i32_0 = arith.constant 0 : i32
    %c0_i32_1 = arith.constant 0 : i32
    return %arg0, %c0_i32, %c0_i32_0 : i32, i32, i32
  }
}

</mosaic_0001>

<sc_bundles>
// kernel: kernel.5.cloned.1.call-start
scs
__scs_entry_jumppad:
0x0: {  	(pc) =	sbr.rel $0x88, $3  }
0x1: {  	(tag) =	ssettag $0x0;
	lr =	simm.s32 $0x1  }
0x2: {  	[smem:$0x3F9F] =	sst lr;
	_ =	strace $0xD0000000  }
0x3: {  	_ = 	snop  }
0x4: {  	_ = 	snop  }
0x5: {  	_ = 	snop  }
0x6: {  	_ = 	snop  }
0x7: {  	_ = 	snop  }
__scs_overlays_trampoline_lowered:
0x8: {  	[smem:$0x3FAE] =	sst s0  }
0x9: {  	[smem:$0x3FAF] =	sst s1  }
0xa: {  	[smem:$0x3FB0] =	sst s2  }
0xb: {  	[smem:$0x3FB1] =	sst s3  }
0xc: {  	[smem:$0x3FB2] =	sst s4  }
0xd: {  	[smem:$0x3FB3] =	sst s5  }
0xe: {  	[smem:$0x3FB4] =	sst s6  }
0xf: {  	[smem:$0x3FB5] =	sst s7  }
0x10: {  	[smem:$0x3FB6] =	sst s8  }
0x11: {  	[smem:$0x3FB7] =	sst s9;
	s0 =	simm.s32 @!p0 $0x0  }
0x12: {  	s1 =	sld [smem:$0x3F9D];
	s0 =	simm.s32 @p0 $0x1  }
0x13: {  	[smem:$0x3FB8] =	sst s0;
	s0 =	simm.s32 @!p1 $0x0  }
0x14: {  	s2 =	sld [smem:$0x3F9C];
	s0 =	simm.s32 @p1 $0x1  }
0x15: {  	[smem:$0x3FB9] =	sst s0;
	s0 =	simm.s32 @!p2 $0x0  }
0x16: {  	s3 =	sld [smem:$0x3FDB];
	s0 =	simm.s32 @p2 $0x1  }
0x17: {  	s4 =	simm.s32 $0x1BF5;
	[smem:$0x3FBB] =	sst s0  }
0x18: {  	s0 =	sld [smem:$0x3F9E];
	_ =	swait.ge [sflag:s4], $0x0  }
0x19: {  	s7 =	sld [smem:$0x3F9F]  }
0x1a: {  	s8 =	sadd.s32 $0xFFFFE003, lr  }
0x1b: {  	s9 =	sadd.s32 $0xFFFFFEF7, lr;
	s5 =	simm.s32 $0xFFFFFFFF;
	p2 =	slt.u32 s8, $0xFFFFF086  }
0x1c: {  	p1 =	slt.u32 s9, $0xF7A;
	s5 =	simm.s32 @!p2 $0x0  }
0x1d: {  	s5 =	simm.s32 @p1 $0x1;
	p0 =	seq.s32 s7, s2  }
0x1e: {  	s7 =	smul.u32 @!p0 $0xF7A, s2;
	p2 =	seq.s32 @!p0 s5, $0x0  }
0x1f: {  	s9 =	smul.u32 $0xF7A, s1;
	s8 =	simm.s32 @!p0 $0x1BF5;
	p2 =	por !p2, p0  }
0x20: {  	[sflag:s8] =	ssyncset.s32 @!p0 $0xFFFFF086;
	s6 =	sadd.s32 @!p0 s3, s7;
	s7 =	simm.s32 @!p0 $0x108  }
0x21: {  	s3 =	sadd.s32 s3, s9;
	s6 =	sadd.s32 @!p0 $0x88, s6;
	s7 =	simm.s32 @p2 $0x1082  }
0x22: {  	[simem:s7], [sflag:s8] =	dma.local @!p0 [hbm:s6], $0xF7A  }
0x23: {  	s9 =	sor.u32 $0xD0000000, s2;
	s6 =	simm.s32 $0x108;
	_ =	swait.ge @!p0 [sflag:s8], $0x0  }
0x24: {  	s3 =	sadd.s32 $0x88, s3;
	s6 =	simm.s32 @!p1 $0x1082;
	[sflag:s4] =	ssyncset.s32 $0xFFFFF086  }
0x25: {  	[simem:s6], [sflag:s4] =	dma.local [hbm:s3], $0xF7A  }
0x26: {  	[smem:$0x3F9F] =	sst s1;
	(tag) =	ssettag s2;
	_ =	strace s9  }
0x27: {  	s1 =	sld [smem:$0x3FAF]  }
0x28: {  	s2 =	sld [smem:$0x3FB0]  }
0x29: {  	s4 =	sld [smem:$0x3FB2]  }
0x2a: {  	p0 =	seq.s32 s5, $0x0;
	s5 =	sld [smem:$0x3FB3]  }
0x2b: {  	s6 =	sld [smem:$0x3FB4]  }
0x2c: {  	s7 =	sld [smem:$0x3FB5]  }
0x2d: {  	s3 =	simm.s32 $0x108;
	s8 =	sld [smem:$0x3FB6]  }
0x2e: {  	s3 =	simm.s32 @!p0 $0x1082;
	s9 =	sld [smem:$0x3FB7]  }
0x2f: {  	lr =	sadd.s32 s0, s3;
	s0 =	sld [smem:$0x3FAE]  }
0x30: {  	s3 =	sld [smem:$0x3FB1]  }
0x31: {  	[smem:$0x3FBA] =	sst s10  }
0x32: {  	s10 =	sld [smem:$0x3FB8];
	_ =	sdelay $0x3  }
0x33: {  	p0 =	seq.s32 s10, $0x1;
	s10 =	sld [smem:$0x3FBA];
	_ =	sdelay $0x3  }
0x34: {  	[smem:$0x3FBA] =	sst s10  }
0x35: {  	s10 =	sld [smem:$0x3FB9];
	_ =	sdelay $0x3  }
0x36: {  	p1 =	seq.s32 s10, $0x1;
	s10 =	sld [smem:$0x3FBA];
	_ =	sdelay $0x3  }
0x37: {  	[smem:$0x3FBA] =	sst s10  }
0x38: {  	s10 =	sld [smem:$0x3FBB]  }
0x39: {  	_ = 	snop;
	(pc) =	sbr.ind lr, $3  }
0x3a: {  	_ = 	snop  }
0x3b: {  	_ = 	snop  }
0x3c: {  	p2 =	seq.s32 s10, $0x1;
	s10 =	sld [smem:$0x3FBA]  }
0x3d: {  	_ =	shalt  }
0x3e: {  	_ =	shalt  }
0x3f: {  	_ =	shalt  }
0x40: {  	_ =	shalt  }
0x41: {  	_ =	shalt  }
0x42: {  	_ =	shalt  }
0x43: {  	_ =	shalt  }
0x44: {  	_ =	shalt  }
0x45: {  	_ =	shalt  }
0x46: {  	_ =	shalt  }
0x47: {  	_ =	shalt  }
0x48: {  	_ =	shalt  }
0x49: {  	_ =	shalt  }
0x4a: {  	_ =	shalt  }
0x4b: {  	_ =	shalt  }
0x4c: {  	_ =	shalt  }
0x4d: {  	_ =	shalt  }
0x4e: {  	_ =	shalt  }
0x4f: {  	_ =	shalt  }
0x50: {  	_ =	shalt  }
0x51: {  	_ =	shalt  }
0x52: {  	_ =	shalt  }
0x53: {  	_ =	shalt  }
0x54: {  	_ =	shalt  }
0x55: {  	_ =	shalt  }
0x56: {  	_ =	shalt  }
0x57: {  	_ =	shalt  }
0x58: {  	_ =	shalt  }
0x59: {  	_ =	shalt  }
0x5a: {  	_ =	shalt  }
0x5b: {  	_ =	shalt  }
0x5c: {  	_ =	shalt  }
0x5d: {  	_ =	shalt  }
0x5e: {  	_ =	shalt  }
0x5f: {  	_ =	shalt  }
0x60: {  	_ =	shalt  }
0x61: {  	_ =	shalt  }
0x62: {  	_ =	shalt  }
0x63: {  	_ =	shalt  }
0x64: {  	_ =	shalt  }
0x65: {  	_ =	shalt  }
0x66: {  	_ =	shalt  }
0x67: {  	_ =	shalt  }
0x68: {  	_ =	shalt  }
0x69: {  	_ =	shalt  }
0x6a: {  	_ =	shalt  }
0x6b: {  	_ =	shalt  }
0x6c: {  	_ =	shalt  }
0x6d: {  	_ =	shalt  }
0x6e: {  	_ =	shalt  }
0x6f: {  	_ =	shalt  }
0x70: {  	_ =	shalt  }
0x71: {  	_ =	shalt  }
0x72: {  	_ =	shalt  }
0x73: {  	_ =	shalt  }
0x74: {  	_ =	shalt  }
0x75: {  	_ =	shalt  }
0x76: {  	_ =	shalt  }
0x77: {  	_ =	shalt  }
0x78: {  	_ =	shalt  }
0x79: {  	_ =	shalt  }
0x7a: {  	_ =	shalt  }
0x7b: {  	_ =	shalt  }
0x7c: {  	_ =	shalt  }
0x7d: {  	_ =	shalt  }
0x7e: {  	_ =	shalt  }
0x7f: {  	_ =	shalt  }
0x80: {  	_ =	shalt  }
0x81: {  	_ =	shalt  }
0x82: {  	_ =	shalt  }
0x83: {  	_ =	shalt  }
0x84: {  	_ =	shalt  }
0x85: {  	_ =	shalt  }
0x86: {  	_ =	shalt  }
0x87: {  	_ =	shalt  }
.Lfunc_end0:
.L_simem_size_0:
called_computation_lowered:
.L_overlay_start_0:
0x88: {  	s2 =	sld [smem:$0x3FD9]  }
0x89: {  	s3 =	sld [smem:$0x3FFE];
	_ =	sdelay $0x1  }
0x8a: {  	s1 =	srdreg.scid  }
0x8b: {  	s0 =	sand.u32 $0x1, s1  }
0x8c: {  	s16 =	sshll.u32 s0, $0xA;
	s2 =	sadd.s32 s3, s2  }
0x8d: {  	s2 =	sadd.s32 s2, s16  }
0x8e: {  	[smem:$0x3FC6] =	sst s2  }
0x8f: {  	_ = 	snop  }
0x90: {  	(tm) =	ssettm $0x1  }
0x91: {  	s17 =	sld [smem:$0x3FFB];
	_ =	sdelay $0x3  }
0x92: {  	_ =	strace s17  }
0x93: {  	s2 =	sld [smem:$0x3FFC];
	_ =	sdelay $0x3  }
0x94: {  	_ =	strace s2  }
0x95: {  	s2 =	sld [smem:$0x3FFD];
	_ =	sdelay $0x3  }
0x96: {  	_ =	strace s2  }
0x97: {  	_ =	strace $0x8FFFFFFF  }
0x98: {  	s18 =	sld [smem:$0x3FDB];
	_ =	sdelay $0x1  }
0x99: {  	s19 =	simm.s32 $_scs_section_size  }
0x9a: {  	s4 =	simm.s32 $_size__tile_overlayer_lowered;
	s5 =	simm.s32 $_tile_overlayer_lowered  }
0x9b: {  	s22 =	simm.s32 $0x1BFF;
	s21 =	sshll.u32 s5, $0x1;
	s2 =	sadd.s32 s19, s18  }
0x9c: {  	s6 =	simm.s32 $0x0;
	s20 =	sshll.u32 s4, $0x1;
	s4 =	sadd.s32 s21, s2  }
0x9d: {  	[timem:s6], [sflag:s22] =	dma.local [hbm:s4], s20  }
0x9e: {  	_ =	swait.ge [sflag:s22], s20  }
0x9f: {  	s3 =	ssub.s32 $0x0, s20;
	[sflag:s22] =	ssyncset.done $0x0  }
0xa0: {  	[sflag:s22] =	ssyncadd.s32 s3;
	_ =	sdelay $0x1  }
0xa1: {  	s23 =	simm.s32 $0x1B8B  }
0xa2: {  	_ =	swait.ge [sflag:s23], $0x1  }
0xa3: {  	[sflag:s23] =	ssyncset.done $0x0  }
0xa4: {  	s25 =	simm.s32 $0x1B8E;
	s24 =	sld [smem:$0x3FFE];
	[sflag:s23] =	ssyncadd.s32 $0xFFFFFFFF  }
0xa5: {  	s26 =	simm.s32 $execute0_lowered;
	[smem:$0x3FD2] =	sst s25  }
0xa6: {  	s4 =	sshll.u32 s26, $0x1;
	_ =	strace $0x80000046;
	[dreg:$0x1] =	wrdreg $0xFFFFFFFF  }
0xa7: {  	s28 =	simm.s32 $_size_execute0_lowered;
	s2 =	sadd.s32 s2, s4;
	[dreg:$0x0] =	wrdreg $0x0  }
0xa8: {  	s4 =	sshll.u32 s28, $0x1;
	[dreg:$0x2] =	wrdreg s2  }
0xa9: {  	[dreg:$0x3] =	wrdreg s4  }
0xaa: {  	[dreg:$0x4] =	wrdreg $0xC0  }
0xab: {  	_ =	task [dreg:s6], $0x5FFFF  }
0xac: {  	[dreg:$0x1] =	wrdreg $0xFFFFFFFF  }
0xad: {  	[dreg:$0x0] =	wrdreg $0x60  }
0xae: {  	[dreg:$0x2] =	wrdreg s24  }
0xaf: {  	[dreg:$0x3] =	wrdreg $0x9  }
0xb0: {  	_ =	task.clear_ibuf [dreg:s6], $0x4FFFF;
	_ =	strace $0x90000046  }
0xb1: {  	s29 =	simm.s32 $0x9;
	_ =	strace $0x80000048  }
0xb2: {  	_ =	swait.ge [sflag:s29], $0x1  }
0xb3: {  	[sflag:s29] =	ssyncadd.s32 $0xFFFFFFFF  }
0xb4: {  	_ =	strace $0x90000048  }
0xb5: {  	_ =	sfence  }
0xb6: {  	s30 =	sld [smem:$0x0];
	_ =	sdelay $0x2  }
0xb7: {  	s31 =	sshll.u32 s1, $0xD;
	s1 =	sshrl.u32 s1, $0x2  }
0xb8: {  	s3 =	sand.u32 $0x4000, s31;
	s1 =	sadd.s32 s1, s30  }
0xb9: {  	s0 =	sor.u32 s3, s0;
	s1 =	sshll.u32 s1, $0x11  }
0xba: {  	s0 =	sor.u32 s1, s0  }
0xbb: {  	s0 =	sadd.s32 $0x8F2B, s0  }
0xbc: {  	[sflag:s0] =	ssyncadd.remote.s32 $0x1  }
0xbd: {  	_ =	sfence.sel $0xFFFF  }
0xbe: {  	[dreg:$0x0] =	wrdreg $0xFFFFFFFF;
	(pc) =	sbr.abs _section_cstart, $3  }
0xbf: {  	[dreg:$0x1] =	wrdreg $0xFFFFFFFF  }
0xc0: {  	_ =	task.clear_ibuf [dreg:s6], $0x2FFFF;
	_ =	strace $0x9FFFFFFF  }
0xc1: {  	(tm) =	ssettm $0x7FFFFFFF  }
tec
execute0_lowered:
.L_overlay_start_1:
0x0: {  	(tag) =	ssettag $0x1  }
0x1: {  	s0 =	rddreg [dreg:$0x0]  }
0x2: {  	s1 =	srdreg.scid;
	s2 =	simm.s32 $0x0;
	s3 =	stileid.u32  }
0x3: {  	s9 =	simm.s32 $0x80;
	s11 =	simm.s32 $0x6;
	s12 =	simm.s32 $0x6400  }
0x4: {  	s13 =	simm.s32 $0x8400;
	s15 =	simm.s32 $0xA400;
	s17 =	simm.s32 $0xC400  }
0x5: {  	s19 =	simm.s32 $0xE400;
	s20 =	simm.s32 $0x1;
	s21 =	simm.s32 $0x40  }
0x6: {  	s22 =	simm.s32 $0x2;
	s23 =	simm.s32 $0x3;
	s24 =	simm.s32 $0x4  }
0x7: {  	s25 =	simm.s32 $0x5;
	s26 =	simm.s32 $0x0;
	s1 =	sand.u32 $0x1, s1  }
0x8: {  	[smem:$0x7FF] =	sst s2;
	s3 =	sshll.u32 s3, $0x8;
	s4 =	sshll.u32 s1, $0x7  }
.Ltmp0:
0x9: {  	_ =	strace $0x80000047;
	s1 =	ssub.s32 $0x2, s1;
	(pc) =	sbr.rel .LBB2_1-.Ltmp0, $4  }
0xa: {  	s6 =	sor.u32 s4, s3;
	s3 =	sadd.s32 $0x19600, s0;
	s30 =	sshrl.u32 s1, $0x1  }
0xb: {  	s4 =	sshrl.u32 s6, $0x3;
	s31 =	sshll.u32 s6, $0x4;
	s6 =	sshll.u32 s6, $0x7  }
0xc: {  	s5 =	sadd.s32 s4, s0;
	s4 =	sadd.s32 $0xDCC00, s0;
	s0 =	ssub.s32 s1, s30  }
0xd: {  	s5 =	sadd.s32 $0x600, s5;
	s7 =	sadd.s32 s4, s31;
	s8 =	smax.u32 s0, $0x1  }
.LBB2_4:
0xe: {  	s26 =	sadd.s32 $0x1, s26  }
0xf: {  	p0 =	sne.s32 s26, s8  }
.Ltmp1:
0x10: {  	_ = 	snop;
	(pc) =	sbr.rel @!p0 .LBB2_5-.Ltmp1, $1  }
0x11: {  	_ =	sdelay $0x3  }
.LBB2_1:
0x12: {  	s0 =	simm.s32 $0x1000  }
0x13: {  	[tilespmem:s2], [sflag:$0x6] =	stream.strided.gather [hbm4b:s5+s9], $0x6400, s0, s9, $0x38;
	[tilespmem:$0x10400] =	vst v63  }
0x14: {  	_ =	swait.ge [sflag:s11], $0x6400  }
0x15: {  	[sflag:s11] =	ssyncset.done $0x0  }
0x16: {  	[sflag:s11] =	ssyncadd.s32 $0xFFFF9C00  }
0x17: {  	[tilespmem:s12], [sflag:$0x1] =	stream.indirect.gather [hbm4b:s3+s9], $0x40, s2, s9, $0xb8;
	[tilespmem:$0x10400] =	vst v63  }
0x18: {  	_ = 	snop  }
0x19: {  	[tilespmem:s13], [sflag:$0x2] =	stream.indirect.gather [hbm4b:s3+s9], $0x40, s9, s9, $0xb8;
	[tilespmem:$0x10400] =	vst v63  }
0x1a: {  	s14 =	simm.s32 $0x100;
	s16 =	simm.s32 $0x180  }
0x1b: {  	[tilespmem:s15], [sflag:$0x3] =	stream.indirect.gather [hbm4b:s3+s9], $0x40, s14, s9, $0xb8;
	[tilespmem:$0x10400] =	vst v63  }
0x1c: {  	s18 =	simm.s32 $0x200;
	s28 =	simm.s32 $0x18000;
	s29 =	simm.s32 $0x18  }
0x1d: {  	[tilespmem:s17], [sflag:$0x4] =	stream.indirect.gather [hbm4b:s3+s9], $0x40, s16, s9, $0xb8;
	[tilespmem:$0x10400] =	vst v63  }
0x1e: {  	s30 =	simm.s32 $0x100000;
	s31 =	simm.s32 $0x0;
	s0 =	simm.s32 $0x0  }
0x1f: {  	[tilespmem:s19], [sflag:$0x5] =	stream.indirect.gather [hbm4b:s3+s9], $0x40, s18, s9, $0xb8;
	[tilespmem:$0x10400] =	vst v63  }
.LBB2_2:
0x20: {  	s1 =	sadd.s32 $0xFFF00000, s30  }
0x21: {  	s10 =	sand.u32 $0x7F80000, s1  }
0x22: {  	s1 =	sand.u32 $0x40, s31;
	s10 =	sor.u32 s10, s6  }
0x23: {  	_ =	swait.ge [sflag:s20], $0x2000;
	s10 =	sor.u32 s1, s10  }
0x24: {  	[sflag:s20] =	ssyncset.done $0x0;
	s10 =	sshrl.u32 s10, $0x3  }
0x25: {  	[sflag:s20] =	ssyncadd.s32 $0xFFFFE000;
	s10 =	sadd.s32 s4, s10  }
0x26: {  	[hbm4b:s10+s21] =	stream.strided.scatter [tilespmem:s12], [sflag:$0x6], $0x2000, s9, s21, $0x38;
	[tilespmem:$0x10400] =	vst v63  }
0x27: {  	p0 =	seq.s32 s0, $0x18600;
	_ =	swait.ge [sflag:s11], $0x2000  }
0x28: {  	s16 =	simm.s32 @!p0 $0x80;
	s10 =	sshra.s32 @!p0 s0, $0x2;
	[sflag:s11] =	ssyncset.done $0x0  }
0x29: {  	s18 =	simm.s32 @!p0 $0x6400;
	s14 =	sadd.s32 @!p0 $0x280, s10;
	[sflag:s11] =	ssyncadd.s32 $0xFFFFE000  }
0x2a: {  	[tilespmem:s18], [sflag:$0x1] =	stream.indirect.gather @!p0 [hbm4b:s3+s16], $0x40, s14, s16, $0xb8;
	[tilespmem:$0x10400] =	vst v63  }
0x2b: {  	s14 =	sadd.s32 $0xFFFF0000, s28;
	s18 =	sadd.s32 $0xFFFFFFF0, s29  }
0x2c: {  	_ =	swait.ge [sflag:s22], $0x2000;
	s14 =	sand.u32 $0x1FF0000, s14;
	s18 =	sand.u32 $0x8, s18  }
0x2d: {  	[sflag:s22] =	ssyncset.done $0x0;
	s14 =	sor.u32 s18, s14  }
0x2e: {  	[sflag:s22] =	ssyncadd.s32 $0xFFFFE000;
	s14 =	sadd.s32 s14, s7  }
0x2f: {  	[hbm4b:s14+s21] =	stream.strided.scatter [tilespmem:s13], [sflag:$0x6], $0x2000, s9, s21, $0x38;
	[tilespmem:$0x10400] =	vst v63  }
0x30: {  	_ =	swait.ge [sflag:s11], $0x2000  }
0x31: {  	[sflag:s11] =	ssyncset.done $0x0  }
0x32: {  	s18 =	simm.s32 @!p0 $0x8400;
	s14 =	sadd.s32 @!p0 $0x300, s10;
	[sflag:s11] =	ssyncadd.s32 $0xFFFFE000  }
0x33: {  	[tilespmem:s18], [sflag:$0x2] =	stream.indirect.gather @!p0 [hbm4b:s3+s16], $0x40, s14, s16, $0xb8;
	[tilespmem:$0x10400] =	vst v63  }
0x34: {  	s18 =	sadd.s32 $0xFFF80000, s30  }
0x35: {  	s14 =	sand.u32 $0xFF80000, s18  }
0x36: {  	s14 =	sor.u32 s14, s6  }
0x37: {  	_ =	swait.ge [sflag:s23], $0x2000;
	s14 =	sor.u32 s1, s14  }
0x38: {  	[sflag:s23] =	ssyncset.done $0x0;
	s14 =	sshrl.u32 s14, $0x3  }
0x39: {  	[sflag:s23] =	ssyncadd.s32 $0xFFFFE000;
	s14 =	sadd.s32 s4, s14  }
0x3a: {  	[hbm4b:s14+s21] =	stream.strided.scatter [tilespmem:s15], [sflag:$0x6], $0x2000, s9, s21, $0x38;
	[tilespmem:$0x10400] =	vst v63  }
0x3b: {  	_ =	swait.ge [sflag:s11], $0x2000  }
0x3c: {  	[sflag:s11] =	ssyncset.done $0x0  }
0x3d: {  	s18 =	simm.s32 @!p0 $0xA400;
	s14 =	sadd.s32 @!p0 $0x380, s10;
	[sflag:s11] =	ssyncadd.s32 $0xFFFFE000  }
0x3e: {  	[tilespmem:s18], [sflag:$0x3] =	stream.indirect.gather @!p0 [hbm4b:s3+s16], $0x40, s14, s16, $0xb8;
	[tilespmem:$0x10400] =	vst v63  }
0x3f: {  	s14 =	sand.u32 $0x1FF0000, s28;
	s18 =	sand.u32 $0x8, s29;
	_ =	swait.ge [sflag:s24], $0x2000  }
0x40: {  	s14 =	sor.u32 s18, s14;
	[sflag:s24] =	ssyncset.done $0x0  }
0x41: {  	s14 =	sadd.s32 s14, s7;
	[sflag:s24] =	ssyncadd.s32 $0xFFFFE000  }
0x42: {  	[hbm4b:s14+s21] =	stream.strided.scatter [tilespmem:s17], [sflag:$0x6], $0x2000, s9, s21, $0x38;
	[tilespmem:$0x10400] =	vst v63  }
0x43: {  	_ =	swait.ge [sflag:s11], $0x2000  }
0x44: {  	s10 =	sadd.s32 @!p0 $0x400, s10;
	[sflag:s11] =	ssyncset.done $0x0  }
0x45: {  	s18 =	sand.u32 $0xFF80000, s30;
	s14 =	simm.s32 @!p0 $0xC400;
	[sflag:s11] =	ssyncadd.s32 $0xFFFFE000  }
0x46: {  	[tilespmem:s14], [sflag:$0x4] =	stream.indirect.gather @!p0 [hbm4b:s3+s16], $0x40, s10, s16, $0xb8;
	[tilespmem:$0x10400] =	vst v63  }
0x47: {  	s10 =	sor.u32 s18, s6  }
0x48: {  	s1 =	sor.u32 s1, s10;
	_ =	swait.ge [sflag:s25], $0x2000  }
0x49: {  	[sflag:s25] =	ssyncset.done $0x0;
	s1 =	sshrl.u32 s1, $0x3  }
.Ltmp2:
0x4a: {  	[sflag:s25] =	ssyncadd.s32 $0xFFFFE000;
	s1 =	sadd.s32 s4, s1;
	(pc) =	sbr.rel @p0 .LBB2_4-.Ltmp2, $4  }
0x4b: {  	[hbm4b:s1+s21] =	stream.strided.scatter [tilespmem:s19], [sflag:$0x6], $0x2000, s9, s21, $0x38;
	[tilespmem:$0x10400] =	vst v63  }
0x4c: {  	_ =	swait.ge [sflag:s11], $0x2000  }
0x4d: {  	[sflag:s11] =	ssyncset.done $0x0  }
0x4e: {  	[sflag:s11] =	ssyncadd.s32 $0xFFFFE000  }
.Ltmp3:
0x4f: {  	(pc) =	sbr.rel .LBB2_2-.Ltmp3, $4  }
0x50: {  	s1 =	sshra.s32 s0, $0x2  }
0x51: {  	s0 =	sadd.s32 $0xA00, s0;
	s28 =	sadd.s32 $0x28000, s28;
	s29 =	sadd.s32 $0x28, s29  }
0x52: {  	s31 =	sadd.s32 $0x40, s31;
	s30 =	sadd.s32 $0x140000, s30;
	s1 =	sadd.s32 $0x480, s1  }
0x53: {  	[tilespmem:s19], [sflag:$0x5] =	stream.indirect.gather [hbm4b:s3+s9], $0x40, s1, s9, $0xb8;
	[tilespmem:$0x10400] =	vst v63  }
.LBB2_5:
0x54: {  	_ =	sfence.sel $0x180000  }
0x55: {  	[bflag:$0x0] =	sbarrier.arrive $0xFFFF  }
0x56: {  	_ =	strace $0x90000047  }
0x57: {  	s0 =	stileid.u32;
	[bflag:$0x2] =	sbarrier.arrive $0xFFFF  }
0x58: {  	p0 =	sne.s32 s0, $0x0;
	s0 =	rddreg [dreg:$0x1]  }
0x59: {  	s0 =	sadd.s32 @!p0 $0x100000, s0  }
0x5a: {  	[sflag:s0] =	ssyncadd.tile.s32 @!p0 $0x1;
	_ =	shalt  }
.Lfunc_end2:
_tile_overlayer_lowered:
.L_overlay_start_2:
0x5b: {  	(tag) =	ssettag $0x2  }
0x5c: {  	s0 =	rddreg [dreg:$0x0];
	s2 =	stileid.u32  }
0x5d: {  	s1 =	rddreg [dreg:$0x1];
	p0 =	sne.s32 s2, $0x0  }
0x5e: {  	s3 =	rddreg [dreg:$0x2];
	[bflag:$0x3] =	sbarrier.arrive $0xFFFF;
	s2 =	simm.s32 @!p0 $0x1C06  }
0x5f: {  	[timem:s3], [sflag:s2] =	dma.local @!p0 [hbm:s0], s1  }
0x60: {  	s0 =	simm.s32 @!p0 $0x6  }
0x61: {  	_ =	swait.ge @!p0 [sflag:s0], s1  }
0x62: {  	s1 =	ssub.s32 @!p0 $0x0, s1;
	[sflag:s0] =	ssyncset.done @!p0 $0x0  }
0x63: {  	[sflag:s0] =	ssyncadd.s32 @!p0 s1  }
0x64: {  	[bflag:$0x3] =	sbarrier.arrive $0xFFFF  }
0x65: {  	_ =	shalt  }

</sc_bundles>
